<compile_context>
chip_gen: v7x
topology: tpu7x:2x2x1
jax: 0.10.2.dev20260603
libtpu: 0.0.44.dev20260713+nightly
codegen_flags: <defaults>
</compile_context>

<pallas_src>
import functools

import jax
import jax.numpy as jnp
from jax import lax
from jax.experimental import pallas as pl
from jax.experimental.pallas import tpu as pltpu
from jax.experimental.pallas import tpu_sc as plsc

NUM_MODS = 1000
EMBED_DIM = 128
BATCH = 16384

_INFO = plsc.get_sparse_core_info()
_NC, _NS, _L = _INFO.num_cores, _INFO.num_subcores, _INFO.num_lanes
_NW = _NC * _NS
_RPW = BATCH // _NW
_CHUNK = 128
_NCHUNK = _RPW // _CHUNK
_NVREG = EMBED_DIM // _L
_G = 4
_TROWS = 64
_TLAST = NUM_MODS - _TROWS


def _rsqrt_vec(a):
    i = plsc.bitcast(a, jnp.int32)
    i = jnp.int32(0x5F3759DF) - (i >> 1)
    y = plsc.bitcast(i, jnp.float32)
    for _ in range(3):
        y = y * (1.5 - 0.5 * a * y * y)
    return y


def _body(idx_hbm, table_hbm, gamma_hbm, beta_hbm, out_hbm,
          idx_v, rows_v, tbl_v, g_v, b_v, ntab_sh,
          sem_g0, sem_g1, sem_out, sem_misc):
    c = lax.axis_index("c")
    s = lax.axis_index("s")
    blk = c * _NS + s
    base = blk * _RPW
    sems_g = (sem_g0, sem_g1)
    trow = jnp.minimum(s * _TROWS, _TLAST)

    t_cp = pltpu.async_copy(table_hbm.at[pl.ds(trow, _TROWS)],
                            tbl_v, sem_misc)
    i_cp = pltpu.async_copy(idx_hbm.at[pl.ds(blk * _NCHUNK, _NCHUNK)],
                            idx_v, sem_misc)
    g_cp = pltpu.async_copy(gamma_hbm, g_v, sem_misc)
    b_cp = pltpu.async_copy(beta_hbm, b_v, sem_misc)
    t_cp.wait()
    i_cp.wait()
    g_cp.wait()
    b_cp.wait()

    g = [g_v[pl.ds(k * _L, _L)] for k in range(_NVREG)]
    b = [b_v[pl.ds(k * _L, _L)] for k in range(_NVREG)]
    inv_n = jnp.float32(1.0 / EMBED_DIM)

    lane = lax.iota(jnp.int32, _L)
    perms = [lane ^ m for m in (1, 2, 4, 8)]
    dnums = lax.GatherDimensionNumbers(
        offset_dims=(), collapsed_slice_dims=(0,), start_index_map=(0,))

    def lane_sum(x):
        for p in perms:
            x = x + lax.gather(x, p[:, None], dnums, slice_sizes=(1,),
                               mode=lax.GatherScatterMode.PROMISE_IN_BOUNDS)
        return x

    def row_block(i, _):
        for u in range(_G):
            r = i * _G + u
            v = [tbl_v[r, pl.ds(k * _L, _L)] for k in range(_NVREG)]
            s01, s23 = v[0] + v[1], v[2] + v[3]
            s45, s67 = v[4] + v[5], v[6] + v[7]
            sm = (s01 + s23) + (s45 + s67)
            q01 = v[0] * v[0] + v[1] * v[1]
            q23 = v[2] * v[2] + v[3] * v[3]
            q45 = v[4] * v[4] + v[5] * v[5]
            q67 = v[6] * v[6] + v[7] * v[7]
            q = (q01 + q23) + (q45 + q67)
            mean = lane_sum(sm) * inv_n
            av = lane_sum(q) * inv_n - mean * mean + 1e-5
            rinv = _rsqrt_vec(av)
            for k in range(_NVREG):
                tbl_v[r, pl.ds(k * _L, _L)] = \
                    (v[k] - mean) * rinv * g[k] + b[k]
        return _

    lax.fori_loop(0, _TROWS // _G, row_block, 0)

    pltpu.sync_copy(tbl_v, ntab_sh.at[pl.ds(trow, _TROWS)])
    plsc.subcore_barrier()

    def fire_gather(j):
        return pltpu.async_copy(ntab_sh.at[idx_v.at[j]],
                                rows_v.at[pl.ds(j * _CHUNK, _CHUNK)],
                                sems_g[j % 2])

    gathers = [fire_gather(0), fire_gather(1)] + [None] * (_NCHUNK - 2)
    writes = []
    for j in range(_NCHUNK):
        gathers[j].wait()
        if j + 2 < _NCHUNK:
            gathers[j + 2] = fire_gather(j + 2)
        writes.append(
            pltpu.async_copy(rows_v.at[pl.ds(j * _CHUNK, _CHUNK)],
                             out_hbm.at[pl.ds(base + j * _CHUNK, _CHUNK)],
                             sem_out))
    for w in writes:
        w.wait()


@functools.partial(jax.jit)
def _run(idx2d, table, ln_gamma, ln_beta):
    mesh = plsc.VectorSubcoreMesh(core_axis_name="c", subcore_axis_name="s")
    k = pl.kernel(
        _body,
        out_type=jax.ShapeDtypeStruct((BATCH, EMBED_DIM), jnp.float32),
        mesh=mesh,
        scratch_types=[
            pltpu.VMEM((_NCHUNK, _CHUNK), jnp.int32),
            pltpu.VMEM((_RPW, EMBED_DIM), jnp.float32),
            pltpu.VMEM((_TROWS, EMBED_DIM), jnp.float32),
            pltpu.VMEM((EMBED_DIM,), jnp.float32),
            pltpu.VMEM((EMBED_DIM,), jnp.float32),
            pltpu.VMEM_SHARED((NUM_MODS, EMBED_DIM), jnp.float32),
            pltpu.SemaphoreType.DMA,
            pltpu.SemaphoreType.DMA,
            pltpu.SemaphoreType.DMA,
            pltpu.SemaphoreType.DMA,
        ],
        compiler_params=pltpu.CompilerParams(needs_layout_passes=False),
    )
    return k(idx2d, table, ln_gamma, ln_beta)


def kernel(mod_indices, table, ln_gamma, ln_beta):
    idx2d = mod_indices.astype(jnp.int32).reshape(BATCH // _CHUNK, _CHUNK)
    return _run(idx2d, table, ln_gamma, ln_beta)

# --- scband reference (transcript-rebuilt; emitter-appended) ---
"""Pipeline reference for scband-modulation-embedding-79070347919935 (READ-ONLY COPY).

The authoritative reference and input builder live on the scoring server;
editing this copy changes nothing except your own understanding.
"""

import jax, jax.numpy as jnp
import numpy as np

NUM_MODS = 1000
EMBED_DIM = 128
BATCH = 16384

def setup_inputs(seed: int = 0) -> dict:
    key = jax.random.key(seed)
    k1, k2 = jax.random.split(key)
    mod_indices = jax.random.randint(k1, (BATCH,), 0, NUM_MODS, dtype=jnp.int64 if jax.config.jax_enable_x64 else jnp.int32)
    table = jax.random.normal(k2, (NUM_MODS, EMBED_DIM), dtype=jnp.float32) * 0.02
    ln_gamma = jnp.ones((EMBED_DIM,), dtype=jnp.float32)
    ln_beta = jnp.zeros((EMBED_DIM,), dtype=jnp.float32)
    return {"mod_indices": mod_indices, "table": table, "ln_gamma": ln_gamma, "ln_beta": ln_beta}

def _layer_norm(x, gamma, beta, eps=1e-5):
    mean = jnp.mean(x, axis=-1, keepdims=True)
    var = jnp.mean(jnp.square(x - mean), axis=-1, keepdims=True)
    xhat = (x - mean) / jnp.sqrt(var + eps)
    return xhat * gamma + beta

def reference(mod_indices, table, ln_gamma, ln_beta):
    # Embedding lookup (gather)
    x = jnp.take(table, mod_indices, axis=0)
    # LayerNorm over embed_dim
    x = _layer_norm(x, ln_gamma, ln_beta)
    # Dropout is identity in eval/inference mode
    return x

if __name__ == "__main__":
    import jax
    _d = setup_inputs()
    print(jax.jit(kernel)(*tuple(_d.values())))

</pallas_src>

<mosaic_0001>
#map = affine_map<(d0, d1) -> (0, 0)>
#map1 = affine_map<(d0, d1) -> (0)>
module attributes {stable_mosaic.version = 14 : i64} {
  func.func @_body(%arg0: i32, %arg1: i32, %arg2: memref<128x128xi32, #tpu.memory_space<hbm>>, %arg3: memref<1000x128xf32, #tpu.memory_space<hbm>>, %arg4: memref<128xf32, #tpu.memory_space<hbm>>, %arg5: memref<128xf32, #tpu.memory_space<hbm>>, %arg6: memref<16384x128xf32, #tpu.memory_space<hbm>>, %arg7: memref<4x128xi32, #tpu.memory_space<vmem>>, %arg8: memref<512x128xf32, #tpu.memory_space<vmem>>, %arg9: memref<64x128xf32, #tpu.memory_space<vmem>>, %arg10: memref<128xf32, #tpu.memory_space<vmem>>, %arg11: memref<128xf32, #tpu.memory_space<vmem>>, %arg12: memref<1000x128xf32, #tpu.memory_space<vmem_shared>>, %arg13: memref<!tpu.dma_semaphore, #tpu.memory_space<semaphore_mem>>, %arg14: memref<!tpu.dma_semaphore, #tpu.memory_space<semaphore_mem>>, %arg15: memref<!tpu.dma_semaphore, #tpu.memory_space<semaphore_mem>>, %arg16: memref<!tpu.dma_semaphore, #tpu.memory_space<semaphore_mem>>) attributes {dimension_semantics = [#tpu.dimension_semantics<core_parallel>, #tpu.dimension_semantics<subcore_parallel>], iteration_bounds = array<i64: 2, 16>, scalar_prefetch = 0 : i64, scratch_operands = 10 : i64, tpu.core_type = #tpu.core_type<sc_vector_subcore>, window_params = [{transform_indices = #map}, {transform_indices = #map}, {transform_indices = #map1}, {transform_indices = #map1}, {transform_indices = #map}]} {
    %mul3A = arith.constant 16 : i32
    %mul3A_0 = arith.muli %arg0, %mul3A : i32
    %add3A = arith.addi %mul3A_0, %arg1 : i32
    %mul3A_1 = arith.constant 512 : i32
    %mul3A_2 = arith.muli %add3A, %mul3A_1 : i32
    %mul3A_3 = arith.constant 64 : i32
    %mul3A_4 = arith.muli %arg1, %mul3A_3 : i32
    %min3A = arith.constant 936 : i32
    %min3A_5 = arith.minsi %mul3A_4, %min3A : i32
    %dma_start3A = arith.constant 0 : i32
    %dma_start3A_6 = tpu.memref_slice %arg3[%min3A_5, %dma_start3A] : memref<1000x128xf32, #tpu.memory_space<hbm>> -> memref<64x128xf32, #tpu.memory_space<hbm>>
    %dma_start3A_7 = arith.constant 0 : i32
    %dma_start3A_8 = tpu.memref_slice %arg3[%min3A_5, %dma_start3A_7] : memref<1000x128xf32, #tpu.memory_space<hbm>> -> memref<64x128xf32, #tpu.memory_space<hbm>>
    tpu.enqueue_dma source(%dma_start3A_8 : memref<64x128xf32, #tpu.memory_space<hbm>>) target(%arg9 : memref<64x128xf32, #tpu.memory_space<vmem>>) target_semaphore(%arg16 : memref<!tpu.dma_semaphore, #tpu.memory_space<semaphore_mem>>)
    %mul3A_9 = arith.constant 4 : i32
    %mul3A_10 = arith.muli %add3A, %mul3A_9 : i32
    %dma_start3A_11 = arith.constant 0 : i32
    %dma_start3A_12 = tpu.memref_slice %arg2[%mul3A_10, %dma_start3A_11] : memref<128x128xi32, #tpu.memory_space<hbm>> -> memref<4x128xi32, #tpu.memory_space<hbm>>
    %dma_start3A_13 = arith.constant 0 : i32
    %dma_start3A_14 = tpu.memref_slice %arg2[%mul3A_10, %dma_start3A_13] : memref<128x128xi32, #tpu.memory_space<hbm>> -> memref<4x128xi32, #tpu.memory_space<hbm>>
    tpu.enqueue_dma source(%dma_start3A_14 : memref<4x128xi32, #tpu.memory_space<hbm>>) target(%arg7 : memref<4x128xi32, #tpu.memory_space<vmem>>) target_semaphore(%arg16 : memref<!tpu.dma_semaphore, #tpu.memory_space<semaphore_mem>>)
    tpu.enqueue_dma source(%arg4 : memref<128xf32, #tpu.memory_space<hbm>>) target(%arg10 : memref<128xf32, #tpu.memory_space<vmem>>) target_semaphore(%arg16 : memref<!tpu.dma_semaphore, #tpu.memory_space<semaphore_mem>>)
    tpu.enqueue_dma source(%arg5 : memref<128xf32, #tpu.memory_space<hbm>>) target(%arg11 : memref<128xf32, #tpu.memory_space<vmem>>) target_semaphore(%arg16 : memref<!tpu.dma_semaphore, #tpu.memory_space<semaphore_mem>>)
    %dma_wait3A = arith.constant 0 : i32
    %dma_wait3A_15 = tpu.memref_slice %arg3[%min3A_5, %dma_wait3A] : memref<1000x128xf32, #tpu.memory_space<hbm>> -> memref<64x128xf32, #tpu.memory_space<hbm>>
    %dma_wait3A_16 = arith.constant 0 : i32
    %dma_wait3A_17 = tpu.memref_slice %arg3[%min3A_5, %dma_wait3A_16] : memref<1000x128xf32, #tpu.memory_space<hbm>> -> memref<64x128xf32, #tpu.memory_space<hbm>>
    tpu.wait_dma2 semaphore(%arg16 : memref<!tpu.dma_semaphore, #tpu.memory_space<semaphore_mem>>) src(%dma_wait3A_17 : memref<64x128xf32, #tpu.memory_space<hbm>>) dst(%arg9 : memref<64x128xf32, #tpu.memory_space<vmem>>)
    %dma_wait3A_18 = arith.constant 0 : i32
    %dma_wait3A_19 = tpu.memref_slice %arg2[%mul3A_10, %dma_wait3A_18] : memref<128x128xi32, #tpu.memory_space<hbm>> -> memref<4x128xi32, #tpu.memory_space<hbm>>
    %dma_wait3A_20 = arith.constant 0 : i32
    %dma_wait3A_21 = tpu.memref_slice %arg2[%mul3A_10, %dma_wait3A_20] : memref<128x128xi32, #tpu.memory_space<hbm>> -> memref<4x128xi32, #tpu.memory_space<hbm>>
    tpu.wait_dma2 semaphore(%arg16 : memref<!tpu.dma_semaphore, #tpu.memory_space<semaphore_mem>>) src(%dma_wait3A_21 : memref<4x128xi32, #tpu.memory_space<hbm>>) dst(%arg7 : memref<4x128xi32, #tpu.memory_space<vmem>>)
    tpu.wait_dma2 semaphore(%arg16 : memref<!tpu.dma_semaphore, #tpu.memory_space<semaphore_mem>>) src(%arg4 : memref<128xf32, #tpu.memory_space<hbm>>) dst(%arg10 : memref<128xf32, #tpu.memory_space<vmem>>)
    tpu.wait_dma2 semaphore(%arg16 : memref<!tpu.dma_semaphore, #tpu.memory_space<semaphore_mem>>) src(%arg5 : memref<128xf32, #tpu.memory_space<hbm>>) dst(%arg11 : memref<128xf32, #tpu.memory_space<vmem>>)
    %get3A = arith.constant 0 : index
    %get3A_22 = tpu.vector_load %arg10[%get3A] {strides = array<i32>} : memref<128xf32, #tpu.memory_space<vmem>>, vector<16xf32>,
    %get3A_23 = arith.constant 16 : index
    %get3A_24 = tpu.vector_load %arg10[%get3A_23] {strides = array<i32>} : memref<128xf32, #tpu.memory_space<vmem>>, vector<16xf32>,
    %get3A_25 = arith.constant 32 : index
    %get3A_26 = tpu.vector_load %arg10[%get3A_25] {strides = array<i32>} : memref<128xf32, #tpu.memory_space<vmem>>, vector<16xf32>,
    %get3A_27 = arith.constant 48 : index
    %get3A_28 = tpu.vector_load %arg10[%get3A_27] {strides = array<i32>} : memref<128xf32, #tpu.memory_space<vmem>>, vector<16xf32>,
    %get3A_29 = arith.constant 64 : index
    %get3A_30 = tpu.vector_load %arg10[%get3A_29] {strides = array<i32>} : memref<128xf32, #tpu.memory_space<vmem>>, vector<16xf32>,
    %get3A_31 = arith.constant 80 : index
    %get3A_32 = tpu.vector_load %arg10[%get3A_31] {strides = array<i32>} : memref<128xf32, #tpu.memory_space<vmem>>, vector<16xf32>,
    %get3A_33 = arith.constant 96 : index
    %get3A_34 = tpu.vector_load %arg10[%get3A_33] {strides = array<i32>} : memref<128xf32, #tpu.memory_space<vmem>>, vector<16xf32>,
    %get3A_35 = arith.constant 112 : index
    %get3A_36 = tpu.vector_load %arg10[%get3A_35] {strides = array<i32>} : memref<128xf32, #tpu.memory_space<vmem>>, vector<16xf32>,
    %get3A_37 = arith.constant 0 : index
    %get3A_38 = tpu.vector_load %arg11[%get3A_37] {strides = array<i32>} : memref<128xf32, #tpu.memory_space<vmem>>, vector<16xf32>,
    %get3A_39 = arith.constant 16 : index
    %get3A_40 = tpu.vector_load %arg11[%get3A_39] {strides = array<i32>} : memref<128xf32, #tpu.memory_space<vmem>>, vector<16xf32>,
    %get3A_41 = arith.constant 32 : index
    %get3A_42 = tpu.vector_load %arg11[%get3A_41] {strides = array<i32>} : memref<128xf32, #tpu.memory_space<vmem>>, vector<16xf32>,
    %get3A_43 = arith.constant 48 : index
    %get3A_44 = tpu.vector_load %arg11[%get3A_43] {strides = array<i32>} : memref<128xf32, #tpu.memory_space<vmem>>, vector<16xf32>,
    %get3A_45 = arith.constant 64 : index
    %get3A_46 = tpu.vector_load %arg11[%get3A_45] {strides = array<i32>} : memref<128xf32, #tpu.memory_space<vmem>>, vector<16xf32>,
    %get3A_47 = arith.constant 80 : index
    %get3A_48 = tpu.vector_load %arg11[%get3A_47] {strides = array<i32>} : memref<128xf32, #tpu.memory_space<vmem>>, vector<16xf32>,
    %get3A_49 = arith.constant 96 : index
    %get3A_50 = tpu.vector_load %arg11[%get3A_49] {strides = array<i32>} : memref<128xf32, #tpu.memory_space<vmem>>, vector<16xf32>,
    %get3A_51 = arith.constant 112 : index
    %get3A_52 = tpu.vector_load %arg11[%get3A_51] {strides = array<i32>} : memref<128xf32, #tpu.memory_space<vmem>>, vector<16xf32>,
    %iota3A = tpu.iota {dimensions = array<i32: 0>} : vector<16xi32>
    %xor3A = arith.constant 1 : i32
    %xor3A_53 = vector.broadcast %xor3A : i32 to vector<16xi32>
    %xor3A_54 = arith.xori %iota3A, %xor3A_53 : vector<16xi32>
    %xor3A_55 = arith.constant 2 : i32
    %xor3A_56 = vector.broadcast %xor3A_55 : i32 to vector<16xi32>
    %xor3A_57 = arith.xori %iota3A, %xor3A_56 : vector<16xi32>
    %xor3A_58 = arith.constant 4 : i32
    %xor3A_59 = vector.broadcast %xor3A_58 : i32 to vector<16xi32>
    %xor3A_60 = arith.xori %iota3A, %xor3A_59 : vector<16xi32>
    %xor3A_61 = arith.constant 8 : i32
    %xor3A_62 = vector.broadcast %xor3A_61 : i32 to vector<16xi32>
    %xor3A_63 = arith.xori %iota3A, %xor3A_62 : vector<16xi32>
    %scan3A = arith.constant 0 : i32
    %scan3A_64 = arith.constant 7.812500e-03 : f32
    %scan3A_65 = arith.constant 0 : i32
    %scan3A_66 = arith.constant 16 : i32
    %scan3A_67 = arith.addi %scan3A_65, %scan3A_66 : i32
    %scan3A_68 = arith.constant 1 : i32
    scf.for %scan3A_238 = %scan3A_65 to %scan3A_67 step %scan3A_68  : i32 {
      %mul3A_239 = arith.constant 4 : i32
      %mul3A_240 = arith.muli %scan3A_238, %mul3A_239 : i32
      %add3A_241 = arith.constant 0 : i32
      %add3A_242 = arith.addi %mul3A_240, %add3A_241 : i32
      %get3A_243 = arith.index_cast %add3A_242 : i32 to index
      %get3A_244 = arith.constant 0 : index
      %get3A_245 = tpu.vector_load %arg9[%get3A_243, %get3A_244] {strides = array<i32>} : memref<64x128xf32, #tpu.memory_space<vmem>>, vector<16xf32>,
      %get3A_246 = arith.index_cast %add3A_242 : i32 to index
      %get3A_247 = arith.constant 16 : index
      %get3A_248 = tpu.vector_load %arg9[%get3A_246, %get3A_247] {strides = array<i32>} : memref<64x128xf32, #tpu.memory_space<vmem>>, vector<16xf32>,
      %get3A_249 = arith.index_cast %add3A_242 : i32 to index
      %get3A_250 = arith.constant 32 : index
      %get3A_251 = tpu.vector_load %arg9[%get3A_249, %get3A_250] {strides = array<i32>} : memref<64x128xf32, #tpu.memory_space<vmem>>, vector<16xf32>,
      %get3A_252 = arith.index_cast %add3A_242 : i32 to index
      %get3A_253 = arith.constant 48 : index
      %get3A_254 = tpu.vector_load %arg9[%get3A_252, %get3A_253] {strides = array<i32>} : memref<64x128xf32, #tpu.memory_space<vmem>>, vector<16xf32>,
      %get3A_255 = arith.index_cast %add3A_242 : i32 to index
      %get3A_256 = arith.constant 64 : index
      %get3A_257 = tpu.vector_load %arg9[%get3A_255, %get3A_256] {strides = array<i32>} : memref<64x128xf32, #tpu.memory_space<vmem>>, vector<16xf32>,
      %get3A_258 = arith.index_cast %add3A_242 : i32 to index
      %get3A_259 = arith.constant 80 : index
      %get3A_260 = tpu.vector_load %arg9[%get3A_258, %get3A_259] {strides = array<i32>} : memref<64x128xf32, #tpu.memory_space<vmem>>, vector<16xf32>,
      %get3A_261 = arith.index_cast %add3A_242 : i32 to index
      %get3A_262 = arith.constant 96 : index
      %get3A_263 = tpu.vector_load %arg9[%get3A_261, %get3A_262] {strides = array<i32>} : memref<64x128xf32, #tpu.memory_space<vmem>>, vector<16xf32>,
      %get3A_264 = arith.index_cast %add3A_242 : i32 to index
      %get3A_265 = arith.constant 112 : index
      %get3A_266 = tpu.vector_load %arg9[%get3A_264, %get3A_265] {strides = array<i32>} : memref<64x128xf32, #tpu.memory_space<vmem>>, vector<16xf32>,
      %add3A_267 = arith.addf %get3A_245, %get3A_248 : vector<16xf32>
      %add3A_268 = arith.addf %get3A_251, %get3A_254 : vector<16xf32>
      %add3A_269 = arith.addf %get3A_257, %get3A_260 : vector<16xf32>
      %add3A_270 = arith.addf %get3A_263, %get3A_266 : vector<16xf32>
      %add3A_271 = arith.addf %add3A_267, %add3A_268 : vector<16xf32>
      %add3A_272 = arith.addf %add3A_269, %add3A_270 : vector<16xf32>
      %add3A_273 = arith.addf %add3A_271, %add3A_272 : vector<16xf32>
      %mul3A_274 = arith.mulf %get3A_245, %get3A_245 : vector<16xf32>
      %mul3A_275 = arith.mulf %get3A_248, %get3A_248 : vector<16xf32>
      %add3A_276 = arith.addf %mul3A_274, %mul3A_275 : vector<16xf32>
      %mul3A_277 = arith.mulf %get3A_251, %get3A_251 : vector<16xf32>
      %mul3A_278 = arith.mulf %get3A_254, %get3A_254 : vector<16xf32>
      %add3A_279 = arith.addf %mul3A_277, %mul3A_278 : vector<16xf32>
      %mul3A_280 = arith.mulf %get3A_257, %get3A_257 : vector<16xf32>
      %mul3A_281 = arith.mulf %get3A_260, %get3A_260 : vector<16xf32>
      %add3A_282 = arith.addf %mul3A_280, %mul3A_281 : vector<16xf32>
      %mul3A_283 = arith.mulf %get3A_263, %get3A_263 : vector<16xf32>
      %mul3A_284 = arith.mulf %get3A_266, %get3A_266 : vector<16xf32>
      %add3A_285 = arith.addf %mul3A_283, %mul3A_284 : vector<16xf32>
      %add3A_286 = arith.addf %add3A_276, %add3A_279 : vector<16xf32>
      %add3A_287 = arith.addf %add3A_282, %add3A_285 : vector<16xf32>
      %add3A_288 = arith.addf %add3A_286, %add3A_287 : vector<16xf32>
      %broadcast_in_dim3A = vector.shape_cast %xor3A_54 : vector<16xi32> to vector<16x1xi32>
      %gather3A = vector.shape_cast %broadcast_in_dim3A : vector<16x1xi32> to vector<16xi32>
      %gather3A_289 = tpu.dynamic_gather %add3A_273[%gather3A] in [0] : vector<16xf32>, vector<16xi32> -> vector<16xf32>
      %add3A_290 = arith.addf %add3A_273, %gather3A_289 : vector<16xf32>
      %broadcast_in_dim3A_291 = vector.shape_cast %xor3A_57 : vector<16xi32> to vector<16x1xi32>
      %gather3A_292 = vector.shape_cast %broadcast_in_dim3A_291 : vector<16x1xi32> to vector<16xi32>
      %gather3A_293 = tpu.dynamic_gather %add3A_290[%gather3A_292] in [0] : vector<16xf32>, vector<16xi32> -> vector<16xf32>
      %add3A_294 = arith.addf %add3A_290, %gather3A_293 : vector<16xf32>
      %broadcast_in_dim3A_295 = vector.shape_cast %xor3A_60 : vector<16xi32> to vector<16x1xi32>
      %gather3A_296 = vector.shape_cast %broadcast_in_dim3A_295 : vector<16x1xi32> to vector<16xi32>
      %gather3A_297 = tpu.dynamic_gather %add3A_294[%gather3A_296] in [0] : vector<16xf32>, vector<16xi32> -> vector<16xf32>
      %add3A_298 = arith.addf %add3A_294, %gather3A_297 : vector<16xf32>
      %broadcast_in_dim3A_299 = vector.shape_cast %xor3A_63 : vector<16xi32> to vector<16x1xi32>
      %gather3A_300 = vector.shape_cast %broadcast_in_dim3A_299 : vector<16x1xi32> to vector<16xi32>
      %gather3A_301 = tpu.dynamic_gather %add3A_298[%gather3A_300] in [0] : vector<16xf32>, vector<16xi32> -> vector<16xf32>
      %add3A_302 = arith.addf %add3A_298, %gather3A_301 : vector<16xf32>
      %mul3A_303 = vector.broadcast %scan3A_64 : f32 to vector<16xf32>
      %mul3A_304 = arith.mulf %add3A_302, %mul3A_303 : vector<16xf32>
      %broadcast_in_dim3A_305 = vector.shape_cast %xor3A_54 : vector<16xi32> to vector<16x1xi32>
      %gather3A_306 = vector.shape_cast %broadcast_in_dim3A_305 : vector<16x1xi32> to vector<16xi32>
      %gather3A_307 = tpu.dynamic_gather %add3A_288[%gather3A_306] in [0] : vector<16xf32>, vector<16xi32> -> vector<16xf32>
      %add3A_308 = arith.addf %add3A_288, %gather3A_307 : vector<16xf32>
      %broadcast_in_dim3A_309 = vector.shape_cast %xor3A_57 : vector<16xi32> to vector<16x1xi32>
      %gather3A_310 = vector.shape_cast %broadcast_in_dim3A_309 : vector<16x1xi32> to vector<16xi32>
      %gather3A_311 = tpu.dynamic_gather %add3A_308[%gather3A_310] in [0] : vector<16xf32>, vector<16xi32> -> vector<16xf32>
      %add3A_312 = arith.addf %add3A_308, %gather3A_311 : vector<16xf32>
      %broadcast_in_dim3A_313 = vector.shape_cast %xor3A_60 : vector<16xi32> to vector<16x1xi32>
      %gather3A_314 = vector.shape_cast %broadcast_in_dim3A_313 : vector<16x1xi32> to vector<16xi32>
      %gather3A_315 = tpu.dynamic_gather %add3A_312[%gather3A_314] in [0] : vector<16xf32>, vector<16xi32> -> vector<16xf32>
      %add3A_316 = arith.addf %add3A_312, %gather3A_315 : vector<16xf32>
      %broadcast_in_dim3A_317 = vector.shape_cast %xor3A_63 : vector<16xi32> to vector<16x1xi32>
      %gather3A_318 = vector.shape_cast %broadcast_in_dim3A_317 : vector<16x1xi32> to vector<16xi32>
      %gather3A_319 = tpu.dynamic_gather %add3A_316[%gather3A_318] in [0] : vector<16xf32>, vector<16xi32> -> vector<16xf32>
      %add3A_320 = arith.addf %add3A_316, %gather3A_319 : vector<16xf32>
      %mul3A_321 = vector.broadcast %scan3A_64 : f32 to vector<16xf32>
      %mul3A_322 = arith.mulf %add3A_320, %mul3A_321 : vector<16xf32>
      %mul3A_323 = arith.mulf %mul3A_304, %mul3A_304 : vector<16xf32>
      %sub3A = arith.subf %mul3A_322, %mul3A_323 : vector<16xf32>
      %add3A_324 = arith.constant 9.99999974E-6 : f32
      %add3A_325 = vector.broadcast %add3A_324 : f32 to vector<16xf32>
      %add3A_326 = arith.addf %sub3A, %add3A_325 : vector<16xf32>
      %bitcast3A = vector.bitcast %add3A_326 : vector<16xf32> to vector<16xi32>
      %shift_right_arithmetic3A = arith.constant 1 : i32
      %shift_right_arithmetic3A_327 = vector.broadcast %shift_right_arithmetic3A : i32 to vector<16xi32>
      %shift_right_arithmetic3A_328 = arith.shrsi %bitcast3A, %shift_right_arithmetic3A_327 : vector<16xi32>
      %sub3A_329 = arith.constant 1597463007 : i32
      %sub3A_330 = vector.broadcast %sub3A_329 : i32 to vector<16xi32>
      %sub3A_331 = arith.subi %sub3A_330, %shift_right_arithmetic3A_328 : vector<16xi32>
      %bitcast3A_332 = vector.bitcast %sub3A_331 : vector<16xi32> to vector<16xf32>
      %mul3A_333 = arith.constant 5.000000e-01 : f32
      %mul3A_334 = vector.broadcast %mul3A_333 : f32 to vector<16xf32>
      %mul3A_335 = arith.mulf %mul3A_334, %add3A_326 : vector<16xf32>
      %mul3A_336 = arith.mulf %mul3A_335, %bitcast3A_332 : vector<16xf32>
      %mul3A_337 = arith.mulf %mul3A_336, %bitcast3A_332 : vector<16xf32>
      %sub3A_338 = arith.constant 1.500000e+00 : f32
      %sub3A_339 = vector.broadcast %sub3A_338 : f32 to vector<16xf32>
      %sub3A_340 = arith.subf %sub3A_339, %mul3A_337 : vector<16xf32>
      %mul3A_341 = arith.mulf %bitcast3A_332, %sub3A_340 : vector<16xf32>
      %mul3A_342 = arith.constant 5.000000e-01 : f32
      %mul3A_343 = vector.broadcast %mul3A_342 : f32 to vector<16xf32>
      %mul3A_344 = arith.mulf %mul3A_343, %add3A_326 : vector<16xf32>
      %mul3A_345 = arith.mulf %mul3A_344, %mul3A_341 : vector<16xf32>
      %mul3A_346 = arith.mulf %mul3A_345, %mul3A_341 : vector<16xf32>
      %sub3A_347 = arith.constant 1.500000e+00 : f32
      %sub3A_348 = vector.broadcast %sub3A_347 : f32 to vector<16xf32>
      %sub3A_349 = arith.subf %sub3A_348, %mul3A_346 : vector<16xf32>
      %mul3A_350 = arith.mulf %mul3A_341, %sub3A_349 : vector<16xf32>
      %mul3A_351 = arith.constant 5.000000e-01 : f32
      %mul3A_352 = vector.broadcast %mul3A_351 : f32 to vector<16xf32>
      %mul3A_353 = arith.mulf %mul3A_352, %add3A_326 : vector<16xf32>
      %mul3A_354 = arith.mulf %mul3A_353, %mul3A_350 : vector<16xf32>
      %mul3A_355 = arith.mulf %mul3A_354, %mul3A_350 : vector<16xf32>
      %sub3A_356 = arith.constant 1.500000e+00 : f32
      %sub3A_357 = vector.broadcast %sub3A_356 : f32 to vector<16xf32>
      %sub3A_358 = arith.subf %sub3A_357, %mul3A_355 : vector<16xf32>
      %mul3A_359 = arith.mulf %mul3A_350, %sub3A_358 : vector<16xf32>
      %sub3A_360 = arith.subf %get3A_245, %mul3A_304 : vector<16xf32>
      %mul3A_361 = arith.mulf %sub3A_360, %mul3A_359 : vector<16xf32>
      %mul3A_362 = arith.mulf %mul3A_361, %get3A_22 : vector<16xf32>
      %add3A_363 = arith.addf %mul3A_362, %get3A_38 : vector<16xf32>
      %swap3A = arith.index_cast %add3A_242 : i32 to index
      %swap3A_364 = arith.constant 0 : index
      %swap3A_365 = tpu.vector_load %arg9[%swap3A, %swap3A_364] {strides = array<i32>} : memref<64x128xf32, #tpu.memory_space<vmem>>, vector<16xf32>,
      tpu.vector_store %arg9[%swap3A, %swap3A_364], %add3A_363 {strides = array<i32>} : memref<64x128xf32, #tpu.memory_space<vmem>>, vector<16xf32>,
      %sub3A_366 = arith.subf %get3A_248, %mul3A_304 : vector<16xf32>
      %mul3A_367 = arith.mulf %sub3A_366, %mul3A_359 : vector<16xf32>
      %mul3A_368 = arith.mulf %mul3A_367, %get3A_24 : vector<16xf32>
      %add3A_369 = arith.addf %mul3A_368, %get3A_40 : vector<16xf32>
      %swap3A_370 = arith.index_cast %add3A_242 : i32 to index
      %swap3A_371 = arith.constant 16 : index
      %swap3A_372 = tpu.vector_load %arg9[%swap3A_370, %swap3A_371] {strides = array<i32>} : memref<64x128xf32, #tpu.memory_space<vmem>>, vector<16xf32>,
      tpu.vector_store %arg9[%swap3A_370, %swap3A_371], %add3A_369 {strides = array<i32>} : memref<64x128xf32, #tpu.memory_space<vmem>>, vector<16xf32>,
      %sub3A_373 = arith.subf %get3A_251, %mul3A_304 : vector<16xf32>
      %mul3A_374 = arith.mulf %sub3A_373, %mul3A_359 : vector<16xf32>
      %mul3A_375 = arith.mulf %mul3A_374, %get3A_26 : vector<16xf32>
      %add3A_376 = arith.addf %mul3A_375, %get3A_42 : vector<16xf32>
      %swap3A_377 = arith.index_cast %add3A_242 : i32 to index
      %swap3A_378 = arith.constant 32 : index
      %swap3A_379 = tpu.vector_load %arg9[%swap3A_377, %swap3A_378] {strides = array<i32>} : memref<64x128xf32, #tpu.memory_space<vmem>>, vector<16xf32>,
      tpu.vector_store %arg9[%swap3A_377, %swap3A_378], %add3A_376 {strides = array<i32>} : memref<64x128xf32, #tpu.memory_space<vmem>>, vector<16xf32>,
      %sub3A_380 = arith.subf %get3A_254, %mul3A_304 : vector<16xf32>
      %mul3A_381 = arith.mulf %sub3A_380, %mul3A_359 : vector<16xf32>
      %mul3A_382 = arith.mulf %mul3A_381, %get3A_28 : vector<16xf32>
      %add3A_383 = arith.addf %mul3A_382, %get3A_44 : vector<16xf32>
      %swap3A_384 = arith.index_cast %add3A_242 : i32 to index
      %swap3A_385 = arith.constant 48 : index
      %swap3A_386 = tpu.vector_load %arg9[%swap3A_384, %swap3A_385] {strides = array<i32>} : memref<64x128xf32, #tpu.memory_space<vmem>>, vector<16xf32>,
      tpu.vector_store %arg9[%swap3A_384, %swap3A_385], %add3A_383 {strides = array<i32>} : memref<64x128xf32, #tpu.memory_space<vmem>>, vector<16xf32>,
      %sub3A_387 = arith.subf %get3A_257, %mul3A_304 : vector<16xf32>
      %mul3A_388 = arith.mulf %sub3A_387, %mul3A_359 : vector<16xf32>
      %mul3A_389 = arith.mulf %mul3A_388, %get3A_30 : vector<16xf32>
      %add3A_390 = arith.addf %mul3A_389, %get3A_46 : vector<16xf32>
      %swap3A_391 = arith.index_cast %add3A_242 : i32 to index
      %swap3A_392 = arith.constant 64 : index
      %swap3A_393 = tpu.vector_load %arg9[%swap3A_391, %swap3A_392] {strides = array<i32>} : memref<64x128xf32, #tpu.memory_space<vmem>>, vector<16xf32>,
      tpu.vector_store %arg9[%swap3A_391, %swap3A_392], %add3A_390 {strides = array<i32>} : memref<64x128xf32, #tpu.memory_space<vmem>>, vector<16xf32>,
      %sub3A_394 = arith.subf %get3A_260, %mul3A_304 : vector<16xf32>
      %mul3A_395 = arith.mulf %sub3A_394, %mul3A_359 : vector<16xf32>
      %mul3A_396 = arith.mulf %mul3A_395, %get3A_32 : vector<16xf32>
      %add3A_397 = arith.addf %mul3A_396, %get3A_48 : vector<16xf32>
      %swap3A_398 = arith.index_cast %add3A_242 : i32 to index
      %swap3A_399 = arith.constant 80 : index
      %swap3A_400 = tpu.vector_load %arg9[%swap3A_398, %swap3A_399] {strides = array<i32>} : memref<64x128xf32, #tpu.memory_space<vmem>>, vector<16xf32>,
      tpu.vector_store %arg9[%swap3A_398, %swap3A_399], %add3A_397 {strides = array<i32>} : memref<64x128xf32, #tpu.memory_space<vmem>>, vector<16xf32>,
      %sub3A_401 = arith.subf %get3A_263, %mul3A_304 : vector<16xf32>
      %mul3A_402 = arith.mulf %sub3A_401, %mul3A_359 : vector<16xf32>
      %mul3A_403 = arith.mulf %mul3A_402, %get3A_34 : vector<16xf32>
      %add3A_404 = arith.addf %mul3A_403, %get3A_50 : vector<16xf32>
      %swap3A_405 = arith.index_cast %add3A_242 : i32 to index
      %swap3A_406 = arith.constant 96 : index
      %swap3A_407 = tpu.vector_load %arg9[%swap3A_405, %swap3A_406] {strides = array<i32>} : memref<64x128xf32, #tpu.memory_space<vmem>>, vector<16xf32>,
      tpu.vector_store %arg9[%swap3A_405, %swap3A_406], %add3A_404 {strides = array<i32>} : memref<64x128xf32, #tpu.memory_space<vmem>>, vector<16xf32>,
      %sub3A_408 = arith.subf %get3A_266, %mul3A_304 : vector<16xf32>
      %mul3A_409 = arith.mulf %sub3A_408, %mul3A_359 : vector<16xf32>
      %mul3A_410 = arith.mulf %mul3A_409, %get3A_36 : vector<16xf32>
      %add3A_411 = arith.addf %mul3A_410, %get3A_52 : vector<16xf32>
      %swap3A_412 = arith.index_cast %add3A_242 : i32 to index
      %swap3A_413 = arith.constant 112 : index
      %swap3A_414 = tpu.vector_load %arg9[%swap3A_412, %swap3A_413] {strides = array<i32>} : memref<64x128xf32, #tpu.memory_space<vmem>>, vector<16xf32>,
      tpu.vector_store %arg9[%swap3A_412, %swap3A_413], %add3A_411 {strides = array<i32>} : memref<64x128xf32, #tpu.memory_space<vmem>>, vector<16xf32>,
      %mul3A_415 = arith.constant 4 : i32
      %mul3A_416 = arith.muli %scan3A_238, %mul3A_415 : i32
      %add3A_417 = arith.constant 1 : i32
      %add3A_418 = arith.addi %mul3A_416, %add3A_417 : i32
      %get3A_419 = arith.index_cast %add3A_418 : i32 to index
      %get3A_420 = arith.constant 0 : index
      %get3A_421 = tpu.vector_load %arg9[%get3A_419, %get3A_420] {strides = array<i32>} : memref<64x128xf32, #tpu.memory_space<vmem>>, vector<16xf32>,
      %get3A_422 = arith.index_cast %add3A_418 : i32 to index
      %get3A_423 = arith.constant 16 : index
      %get3A_424 = tpu.vector_load %arg9[%get3A_422, %get3A_423] {strides = array<i32>} : memref<64x128xf32, #tpu.memory_space<vmem>>, vector<16xf32>,
      %get3A_425 = arith.index_cast %add3A_418 : i32 to index
      %get3A_426 = arith.constant 32 : index
      %get3A_427 = tpu.vector_load %arg9[%get3A_425, %get3A_426] {strides = array<i32>} : memref<64x128xf32, #tpu.memory_space<vmem>>, vector<16xf32>,
      %get3A_428 = arith.index_cast %add3A_418 : i32 to index
      %get3A_429 = arith.constant 48 : index
      %get3A_430 = tpu.vector_load %arg9[%get3A_428, %get3A_429] {strides = array<i32>} : memref<64x128xf32, #tpu.memory_space<vmem>>, vector<16xf32>,
      %get3A_431 = arith.index_cast %add3A_418 : i32 to index
      %get3A_432 = arith.constant 64 : index
      %get3A_433 = tpu.vector_load %arg9[%get3A_431, %get3A_432] {strides = array<i32>} : memref<64x128xf32, #tpu.memory_space<vmem>>, vector<16xf32>,
      %get3A_434 = arith.index_cast %add3A_418 : i32 to index
      %get3A_435 = arith.constant 80 : index
      %get3A_436 = tpu.vector_load %arg9[%get3A_434, %get3A_435] {strides = array<i32>} : memref<64x128xf32, #tpu.memory_space<vmem>>, vector<16xf32>,
      %get3A_437 = arith.index_cast %add3A_418 : i32 to index
      %get3A_438 = arith.constant 96 : index
      %get3A_439 = tpu.vector_load %arg9[%get3A_437, %get3A_438] {strides = array<i32>} : memref<64x128xf32, #tpu.memory_space<vmem>>, vector<16xf32>,
      %get3A_440 = arith.index_cast %add3A_418 : i32 to index
      %get3A_441 = arith.constant 112 : index
      %get3A_442 = tpu.vector_load %arg9[%get3A_440, %get3A_441] {strides = array<i32>} : memref<64x128xf32, #tpu.memory_space<vmem>>, vector<16xf32>,
      %add3A_443 = arith.addf %get3A_421, %get3A_424 : vector<16xf32>
      %add3A_444 = arith.addf %get3A_427, %get3A_430 : vector<16xf32>
      %add3A_445 = arith.addf %get3A_433, %get3A_436 : vector<16xf32>
      %add3A_446 = arith.addf %get3A_439, %get3A_442 : vector<16xf32>
      %add3A_447 = arith.addf %add3A_443, %add3A_444 : vector<16xf32>
      %add3A_448 = arith.addf %add3A_445, %add3A_446 : vector<16xf32>
      %add3A_449 = arith.addf %add3A_447, %add3A_448 : vector<16xf32>
      %mul3A_450 = arith.mulf %get3A_421, %get3A_421 : vector<16xf32>
      %mul3A_451 = arith.mulf %get3A_424, %get3A_424 : vector<16xf32>
      %add3A_452 = arith.addf %mul3A_450, %mul3A_451 : vector<16xf32>
      %mul3A_453 = arith.mulf %get3A_427, %get3A_427 : vector<16xf32>
      %mul3A_454 = arith.mulf %get3A_430, %get3A_430 : vector<16xf32>
      %add3A_455 = arith.addf %mul3A_453, %mul3A_454 : vector<16xf32>
      %mul3A_456 = arith.mulf %get3A_433, %get3A_433 : vector<16xf32>
      %mul3A_457 = arith.mulf %get3A_436, %get3A_436 : vector<16xf32>
      %add3A_458 = arith.addf %mul3A_456, %mul3A_457 : vector<16xf32>
      %mul3A_459 = arith.mulf %get3A_439, %get3A_439 : vector<16xf32>
      %mul3A_460 = arith.mulf %get3A_442, %get3A_442 : vector<16xf32>
      %add3A_461 = arith.addf %mul3A_459, %mul3A_460 : vector<16xf32>
      %add3A_462 = arith.addf %add3A_452, %add3A_455 : vector<16xf32>
      %add3A_463 = arith.addf %add3A_458, %add3A_461 : vector<16xf32>
      %add3A_464 = arith.addf %add3A_462, %add3A_463 : vector<16xf32>
      %broadcast_in_dim3A_465 = vector.shape_cast %xor3A_54 : vector<16xi32> to vector<16x1xi32>
      %gather3A_466 = vector.shape_cast %broadcast_in_dim3A_465 : vector<16x1xi32> to vector<16xi32>
      %gather3A_467 = tpu.dynamic_gather %add3A_449[%gather3A_466] in [0] : vector<16xf32>, vector<16xi32> -> vector<16xf32>
      %add3A_468 = arith.addf %add3A_449, %gather3A_467 : vector<16xf32>
      %broadcast_in_dim3A_469 = vector.shape_cast %xor3A_57 : vector<16xi32> to vector<16x1xi32>
      %gather3A_470 = vector.shape_cast %broadcast_in_dim3A_469 : vector<16x1xi32> to vector<16xi32>
      %gather3A_471 = tpu.dynamic_gather %add3A_468[%gather3A_470] in [0] : vector<16xf32>, vector<16xi32> -> vector<16xf32>
      %add3A_472 = arith.addf %add3A_468, %gather3A_471 : vector<16xf32>
      %broadcast_in_dim3A_473 = vector.shape_cast %xor3A_60 : vector<16xi32> to vector<16x1xi32>
      %gather3A_474 = vector.shape_cast %broadcast_in_dim3A_473 : vector<16x1xi32> to vector<16xi32>
      %gather3A_475 = tpu.dynamic_gather %add3A_472[%gather3A_474] in [0] : vector<16xf32>, vector<16xi32> -> vector<16xf32>
      %add3A_476 = arith.addf %add3A_472, %gather3A_475 : vector<16xf32>
      %broadcast_in_dim3A_477 = vector.shape_cast %xor3A_63 : vector<16xi32> to vector<16x1xi32>
      %gather3A_478 = vector.shape_cast %broadcast_in_dim3A_477 : vector<16x1xi32> to vector<16xi32>
      %gather3A_479 = tpu.dynamic_gather %add3A_476[%gather3A_478] in [0] : vector<16xf32>, vector<16xi32> -> vector<16xf32>
      %add3A_480 = arith.addf %add3A_476, %gather3A_479 : vector<16xf32>
      %mul3A_481 = vector.broadcast %scan3A_64 : f32 to vector<16xf32>
      %mul3A_482 = arith.mulf %add3A_480, %mul3A_481 : vector<16xf32>
      %broadcast_in_dim3A_483 = vector.shape_cast %xor3A_54 : vector<16xi32> to vector<16x1xi32>
      %gather3A_484 = vector.shape_cast %broadcast_in_dim3A_483 : vector<16x1xi32> to vector<16xi32>
      %gather3A_485 = tpu.dynamic_gather %add3A_464[%gather3A_484] in [0] : vector<16xf32>, vector<16xi32> -> vector<16xf32>
      %add3A_486 = arith.addf %add3A_464, %gather3A_485 : vector<16xf32>
      %broadcast_in_dim3A_487 = vector.shape_cast %xor3A_57 : vector<16xi32> to vector<16x1xi32>
      %gather3A_488 = vector.shape_cast %broadcast_in_dim3A_487 : vector<16x1xi32> to vector<16xi32>
      %gather3A_489 = tpu.dynamic_gather %add3A_486[%gather3A_488] in [0] : vector<16xf32>, vector<16xi32> -> vector<16xf32>
      %add3A_490 = arith.addf %add3A_486, %gather3A_489 : vector<16xf32>
      %broadcast_in_dim3A_491 = vector.shape_cast %xor3A_60 : vector<16xi32> to vector<16x1xi32>
      %gather3A_492 = vector.shape_cast %broadcast_in_dim3A_491 : vector<16x1xi32> to vector<16xi32>
      %gather3A_493 = tpu.dynamic_gather %add3A_490[%gather3A_492] in [0] : vector<16xf32>, vector<16xi32> -> vector<16xf32>
      %add3A_494 = arith.addf %add3A_490, %gather3A_493 : vector<16xf32>
      %broadcast_in_dim3A_495 = vector.shape_cast %xor3A_63 : vector<16xi32> to vector<16x1xi32>
      %gather3A_496 = vector.shape_cast %broadcast_in_dim3A_495 : vector<16x1xi32> to vector<16xi32>
      %gather3A_497 = tpu.dynamic_gather %add3A_494[%gather3A_496] in [0] : vector<16xf32>, vector<16xi32> -> vector<16xf32>
      %add3A_498 = arith.addf %add3A_494, %gather3A_497 : vector<16xf32>
      %mul3A_499 = vector.broadcast %scan3A_64 : f32 to vector<16xf32>
      %mul3A_500 = arith.mulf %add3A_498, %mul3A_499 : vector<16xf32>
      %mul3A_501 = arith.mulf %mul3A_482, %mul3A_482 : vector<16xf32>
      %sub3A_502 = arith.subf %mul3A_500, %mul3A_501 : vector<16xf32>
      %add3A_503 = arith.constant 9.99999974E-6 : f32
      %add3A_504 = vector.broadcast %add3A_503 : f32 to vector<16xf32>
      %add3A_505 = arith.addf %sub3A_502, %add3A_504 : vector<16xf32>
      %bitcast3A_506 = vector.bitcast %add3A_505 : vector<16xf32> to vector<16xi32>
      %shift_right_arithmetic3A_507 = arith.constant 1 : i32
      %shift_right_arithmetic3A_508 = vector.broadcast %shift_right_arithmetic3A_507 : i32 to vector<16xi32>
      %shift_right_arithmetic3A_509 = arith.shrsi %bitcast3A_506, %shift_right_arithmetic3A_508 : vector<16xi32>
      %sub3A_510 = arith.constant 1597463007 : i32
      %sub3A_511 = vector.broadcast %sub3A_510 : i32 to vector<16xi32>
      %sub3A_512 = arith.subi %sub3A_511, %shift_right_arithmetic3A_509 : vector<16xi32>
      %bitcast3A_513 = vector.bitcast %sub3A_512 : vector<16xi32> to vector<16xf32>
      %mul3A_514 = arith.constant 5.000000e-01 : f32
      %mul3A_515 = vector.broadcast %mul3A_514 : f32 to vector<16xf32>
      %mul3A_516 = arith.mulf %mul3A_515, %add3A_505 : vector<16xf32>
      %mul3A_517 = arith.mulf %mul3A_516, %bitcast3A_513 : vector<16xf32>
      %mul3A_518 = arith.mulf %mul3A_517, %bitcast3A_513 : vector<16xf32>
      %sub3A_519 = arith.constant 1.500000e+00 : f32
      %sub3A_520 = vector.broadcast %sub3A_519 : f32 to vector<16xf32>
      %sub3A_521 = arith.subf %sub3A_520, %mul3A_518 : vector<16xf32>
      %mul3A_522 = arith.mulf %bitcast3A_513, %sub3A_521 : vector<16xf32>
      %mul3A_523 = arith.constant 5.000000e-01 : f32
      %mul3A_524 = vector.broadcast %mul3A_523 : f32 to vector<16xf32>
      %mul3A_525 = arith.mulf %mul3A_524, %add3A_505 : vector<16xf32>
      %mul3A_526 = arith.mulf %mul3A_525, %mul3A_522 : vector<16xf32>
      %mul3A_527 = arith.mulf %mul3A_526, %mul3A_522 : vector<16xf32>
      %sub3A_528 = arith.constant 1.500000e+00 : f32
      %sub3A_529 = vector.broadcast %sub3A_528 : f32 to vector<16xf32>
      %sub3A_530 = arith.subf %sub3A_529, %mul3A_527 : vector<16xf32>
      %mul3A_531 = arith.mulf %mul3A_522, %sub3A_530 : vector<16xf32>
      %mul3A_532 = arith.constant 5.000000e-01 : f32
      %mul3A_533 = vector.broadcast %mul3A_532 : f32 to vector<16xf32>
      %mul3A_534 = arith.mulf %mul3A_533, %add3A_505 : vector<16xf32>
      %mul3A_535 = arith.mulf %mul3A_534, %mul3A_531 : vector<16xf32>
      %mul3A_536 = arith.mulf %mul3A_535, %mul3A_531 : vector<16xf32>
      %sub3A_537 = arith.constant 1.500000e+00 : f32
      %sub3A_538 = vector.broadcast %sub3A_537 : f32 to vector<16xf32>
      %sub3A_539 = arith.subf %sub3A_538, %mul3A_536 : vector<16xf32>
      %mul3A_540 = arith.mulf %mul3A_531, %sub3A_539 : vector<16xf32>
      %sub3A_541 = arith.subf %get3A_421, %mul3A_482 : vector<16xf32>
      %mul3A_542 = arith.mulf %sub3A_541, %mul3A_540 : vector<16xf32>
      %mul3A_543 = arith.mulf %mul3A_542, %get3A_22 : vector<16xf32>
      %add3A_544 = arith.addf %mul3A_543, %get3A_38 : vector<16xf32>
      %swap3A_545 = arith.index_cast %add3A_418 : i32 to index
      %swap3A_546 = arith.constant 0 : index
      %swap3A_547 = tpu.vector_load %arg9[%swap3A_545, %swap3A_546] {strides = array<i32>} : memref<64x128xf32, #tpu.memory_space<vmem>>, vector<16xf32>,
      tpu.vector_store %arg9[%swap3A_545, %swap3A_546], %add3A_544 {strides = array<i32>} : memref<64x128xf32, #tpu.memory_space<vmem>>, vector<16xf32>,
      %sub3A_548 = arith.subf %get3A_424, %mul3A_482 : vector<16xf32>
      %mul3A_549 = arith.mulf %sub3A_548, %mul3A_540 : vector<16xf32>
      %mul3A_550 = arith.mulf %mul3A_549, %get3A_24 : vector<16xf32>
      %add3A_551 = arith.addf %mul3A_550, %get3A_40 : vector<16xf32>
      %swap3A_552 = arith.index_cast %add3A_418 : i32 to index
      %swap3A_553 = arith.constant 16 : index
      %swap3A_554 = tpu.vector_load %arg9[%swap3A_552, %swap3A_553] {strides = array<i32>} : memref<64x128xf32, #tpu.memory_space<vmem>>, vector<16xf32>,
      tpu.vector_store %arg9[%swap3A_552, %swap3A_553], %add3A_551 {strides = array<i32>} : memref<64x128xf32, #tpu.memory_space<vmem>>, vector<16xf32>,
      %sub3A_555 = arith.subf %get3A_427, %mul3A_482 : vector<16xf32>
      %mul3A_556 = arith.mulf %sub3A_555, %mul3A_540 : vector<16xf32>
      %mul3A_557 = arith.mulf %mul3A_556, %get3A_26 : vector<16xf32>
      %add3A_558 = arith.addf %mul3A_557, %get3A_42 : vector<16xf32>
      %swap3A_559 = arith.index_cast %add3A_418 : i32 to index
      %swap3A_560 = arith.constant 32 : index
      %swap3A_561 = tpu.vector_load %arg9[%swap3A_559, %swap3A_560] {strides = array<i32>} : memref<64x128xf32, #tpu.memory_space<vmem>>, vector<16xf32>,
      tpu.vector_store %arg9[%swap3A_559, %swap3A_560], %add3A_558 {strides = array<i32>} : memref<64x128xf32, #tpu.memory_space<vmem>>, vector<16xf32>,
      %sub3A_562 = arith.subf %get3A_430, %mul3A_482 : vector<16xf32>
      %mul3A_563 = arith.mulf %sub3A_562, %mul3A_540 : vector<16xf32>
      %mul3A_564 = arith.mulf %mul3A_563, %get3A_28 : vector<16xf32>
      %add3A_565 = arith.addf %mul3A_564, %get3A_44 : vector<16xf32>
      %swap3A_566 = arith.index_cast %add3A_418 : i32 to index
      %swap3A_567 = arith.constant 48 : index
      %swap3A_568 = tpu.vector_load %arg9[%swap3A_566, %swap3A_567] {strides = array<i32>} : memref<64x128xf32, #tpu.memory_space<vmem>>, vector<16xf32>,
      tpu.vector_store %arg9[%swap3A_566, %swap3A_567], %add3A_565 {strides = array<i32>} : memref<64x128xf32, #tpu.memory_space<vmem>>, vector<16xf32>,
      %sub3A_569 = arith.subf %get3A_433, %mul3A_482 : vector<16xf32>
      %mul3A_570 = arith.mulf %sub3A_569, %mul3A_540 : vector<16xf32>
      %mul3A_571 = arith.mulf %mul3A_570, %get3A_30 : vector<16xf32>
      %add3A_572 = arith.addf %mul3A_571, %get3A_46 : vector<16xf32>
      %swap3A_573 = arith.index_cast %add3A_418 : i32 to index
      %swap3A_574 = arith.constant 64 : index
      %swap3A_575 = tpu.vector_load %arg9[%swap3A_573, %swap3A_574] {strides = array<i32>} : memref<64x128xf32, #tpu.memory_space<vmem>>, vector<16xf32>,
      tpu.vector_store %arg9[%swap3A_573, %swap3A_574], %add3A_572 {strides = array<i32>} : memref<64x128xf32, #tpu.memory_space<vmem>>, vector<16xf32>,
      %sub3A_576 = arith.subf %get3A_436, %mul3A_482 : vector<16xf32>
      %mul3A_577 = arith.mulf %sub3A_576, %mul3A_540 : vector<16xf32>
      %mul3A_578 = arith.mulf %mul3A_577, %get3A_32 : vector<16xf32>
      %add3A_579 = arith.addf %mul3A_578, %get3A_48 : vector<16xf32>
      %swap3A_580 = arith.index_cast %add3A_418 : i32 to index
      %swap3A_581 = arith.constant 80 : index
      %swap3A_582 = tpu.vector_load %arg9[%swap3A_580, %swap3A_581] {strides = array<i32>} : memref<64x128xf32, #tpu.memory_space<vmem>>, vector<16xf32>,
      tpu.vector_store %arg9[%swap3A_580, %swap3A_581], %add3A_579 {strides = array<i32>} : memref<64x128xf32, #tpu.memory_space<vmem>>, vector<16xf32>,
      %sub3A_583 = arith.subf %get3A_439, %mul3A_482 : vector<16xf32>
      %mul3A_584 = arith.mulf %sub3A_583, %mul3A_540 : vector<16xf32>
      %mul3A_585 = arith.mulf %mul3A_584, %get3A_34 : vector<16xf32>
      %add3A_586 = arith.addf %mul3A_585, %get3A_50 : vector<16xf32>
      %swap3A_587 = arith.index_cast %add3A_418 : i32 to index
      %swap3A_588 = arith.constant 96 : index
      %swap3A_589 = tpu.vector_load %arg9[%swap3A_587, %swap3A_588] {strides = array<i32>} : memref<64x128xf32, #tpu.memory_space<vmem>>, vector<16xf32>,
      tpu.vector_store %arg9[%swap3A_587, %swap3A_588], %add3A_586 {strides = array<i32>} : memref<64x128xf32, #tpu.memory_space<vmem>>, vector<16xf32>,
      %sub3A_590 = arith.subf %get3A_442, %mul3A_482 : vector<16xf32>
      %mul3A_591 = arith.mulf %sub3A_590, %mul3A_540 : vector<16xf32>
      %mul3A_592 = arith.mulf %mul3A_591, %get3A_36 : vector<16xf32>
      %add3A_593 = arith.addf %mul3A_592, %get3A_52 : vector<16xf32>
      %swap3A_594 = arith.index_cast %add3A_418 : i32 to index
      %swap3A_595 = arith.constant 112 : index
      %swap3A_596 = tpu.vector_load %arg9[%swap3A_594, %swap3A_595] {strides = array<i32>} : memref<64x128xf32, #tpu.memory_space<vmem>>, vector<16xf32>,
      tpu.vector_store %arg9[%swap3A_594, %swap3A_595], %add3A_593 {strides = array<i32>} : memref<64x128xf32, #tpu.memory_space<vmem>>, vector<16xf32>,
      %mul3A_597 = arith.constant 4 : i32
      %mul3A_598 = arith.muli %scan3A_238, %mul3A_597 : i32
      %add3A_599 = arith.constant 2 : i32
      %add3A_600 = arith.addi %mul3A_598, %add3A_599 : i32
      %get3A_601 = arith.index_cast %add3A_600 : i32 to index
      %get3A_602 = arith.constant 0 : index
      %get3A_603 = tpu.vector_load %arg9[%get3A_601, %get3A_602] {strides = array<i32>} : memref<64x128xf32, #tpu.memory_space<vmem>>, vector<16xf32>,
      %get3A_604 = arith.index_cast %add3A_600 : i32 to index
      %get3A_605 = arith.constant 16 : index
      %get3A_606 = tpu.vector_load %arg9[%get3A_604, %get3A_605] {strides = array<i32>} : memref<64x128xf32, #tpu.memory_space<vmem>>, vector<16xf32>,
      %get3A_607 = arith.index_cast %add3A_600 : i32 to index
      %get3A_608 = arith.constant 32 : index
      %get3A_609 = tpu.vector_load %arg9[%get3A_607, %get3A_608] {strides = array<i32>} : memref<64x128xf32, #tpu.memory_space<vmem>>, vector<16xf32>,
      %get3A_610 = arith.index_cast %add3A_600 : i32 to index
      %get3A_611 = arith.constant 48 : index
      %get3A_612 = tpu.vector_load %arg9[%get3A_610, %get3A_611] {strides = array<i32>} : memref<64x128xf32, #tpu.memory_space<vmem>>, vector<16xf32>,
      %get3A_613 = arith.index_cast %add3A_600 : i32 to index
      %get3A_614 = arith.constant 64 : index
      %get3A_615 = tpu.vector_load %arg9[%get3A_613, %get3A_614] {strides = array<i32>} : memref<64x128xf32, #tpu.memory_space<vmem>>, vector<16xf32>,
      %get3A_616 = arith.index_cast %add3A_600 : i32 to index
      %get3A_617 = arith.constant 80 : index
      %get3A_618 = tpu.vector_load %arg9[%get3A_616, %get3A_617] {strides = array<i32>} : memref<64x128xf32, #tpu.memory_space<vmem>>, vector<16xf32>,
      %get3A_619 = arith.index_cast %add3A_600 : i32 to index
      %get3A_620 = arith.constant 96 : index
      %get3A_621 = tpu.vector_load %arg9[%get3A_619, %get3A_620] {strides = array<i32>} : memref<64x128xf32, #tpu.memory_space<vmem>>, vector<16xf32>,
      %get3A_622 = arith.index_cast %add3A_600 : i32 to index
      %get3A_623 = arith.constant 112 : index
      %get3A_624 = tpu.vector_load %arg9[%get3A_622, %get3A_623] {strides = array<i32>} : memref<64x128xf32, #tpu.memory_space<vmem>>, vector<16xf32>,
      %add3A_625 = arith.addf %get3A_603, %get3A_606 : vector<16xf32>
      %add3A_626 = arith.addf %get3A_609, %get3A_612 : vector<16xf32>
      %add3A_627 = arith.addf %get3A_615, %get3A_618 : vector<16xf32>
      %add3A_628 = arith.addf %get3A_621, %get3A_624 : vector<16xf32>
      %add3A_629 = arith.addf %add3A_625, %add3A_626 : vector<16xf32>
      %add3A_630 = arith.addf %add3A_627, %add3A_628 : vector<16xf32>
      %add3A_631 = arith.addf %add3A_629, %add3A_630 : vector<16xf32>
      %mul3A_632 = arith.mulf %get3A_603, %get3A_603 : vector<16xf32>
      %mul3A_633 = arith.mulf %get3A_606, %get3A_606 : vector<16xf32>
      %add3A_634 = arith.addf %mul3A_632, %mul3A_633 : vector<16xf32>
      %mul3A_635 = arith.mulf %get3A_609, %get3A_609 : vector<16xf32>
      %mul3A_636 = arith.mulf %get3A_612, %get3A_612 : vector<16xf32>
      %add3A_637 = arith.addf %mul3A_635, %mul3A_636 : vector<16xf32>
      %mul3A_638 = arith.mulf %get3A_615, %get3A_615 : vector<16xf32>
      %mul3A_639 = arith.mulf %get3A_618, %get3A_618 : vector<16xf32>
      %add3A_640 = arith.addf %mul3A_638, %mul3A_639 : vector<16xf32>
      %mul3A_641 = arith.mulf %get3A_621, %get3A_621 : vector<16xf32>
      %mul3A_642 = arith.mulf %get3A_624, %get3A_624 : vector<16xf32>
      %add3A_643 = arith.addf %mul3A_641, %mul3A_642 : vector<16xf32>
      %add3A_644 = arith.addf %add3A_634, %add3A_637 : vector<16xf32>
      %add3A_645 = arith.addf %add3A_640, %add3A_643 : vector<16xf32>
      %add3A_646 = arith.addf %add3A_644, %add3A_645 : vector<16xf32>
      %broadcast_in_dim3A_647 = vector.shape_cast %xor3A_54 : vector<16xi32> to vector<16x1xi32>
      %gather3A_648 = vector.shape_cast %broadcast_in_dim3A_647 : vector<16x1xi32> to vector<16xi32>
      %gather3A_649 = tpu.dynamic_gather %add3A_631[%gather3A_648] in [0] : vector<16xf32>, vector<16xi32> -> vector<16xf32>
      %add3A_650 = arith.addf %add3A_631, %gather3A_649 : vector<16xf32>
      %broadcast_in_dim3A_651 = vector.shape_cast %xor3A_57 : vector<16xi32> to vector<16x1xi32>
      %gather3A_652 = vector.shape_cast %broadcast_in_dim3A_651 : vector<16x1xi32> to vector<16xi32>
      %gather3A_653 = tpu.dynamic_gather %add3A_650[%gather3A_652] in [0] : vector<16xf32>, vector<16xi32> -> vector<16xf32>
      %add3A_654 = arith.addf %add3A_650, %gather3A_653 : vector<16xf32>
      %broadcast_in_dim3A_655 = vector.shape_cast %xor3A_60 : vector<16xi32> to vector<16x1xi32>
      %gather3A_656 = vector.shape_cast %broadcast_in_dim3A_655 : vector<16x1xi32> to vector<16xi32>
      %gather3A_657 = tpu.dynamic_gather %add3A_654[%gather3A_656] in [0] : vector<16xf32>, vector<16xi32> -> vector<16xf32>
      %add3A_658 = arith.addf %add3A_654, %gather3A_657 : vector<16xf32>
      %broadcast_in_dim3A_659 = vector.shape_cast %xor3A_63 : vector<16xi32> to vector<16x1xi32>
      %gather3A_660 = vector.shape_cast %broadcast_in_dim3A_659 : vector<16x1xi32> to vector<16xi32>
      %gather3A_661 = tpu.dynamic_gather %add3A_658[%gather3A_660] in [0] : vector<16xf32>, vector<16xi32> -> vector<16xf32>
      %add3A_662 = arith.addf %add3A_658, %gather3A_661 : vector<16xf32>
      %mul3A_663 = vector.broadcast %scan3A_64 : f32 to vector<16xf32>
      %mul3A_664 = arith.mulf %add3A_662, %mul3A_663 : vector<16xf32>
      %broadcast_in_dim3A_665 = vector.shape_cast %xor3A_54 : vector<16xi32> to vector<16x1xi32>
      %gather3A_666 = vector.shape_cast %broadcast_in_dim3A_665 : vector<16x1xi32> to vector<16xi32>
      %gather3A_667 = tpu.dynamic_gather %add3A_646[%gather3A_666] in [0] : vector<16xf32>, vector<16xi32> -> vector<16xf32>
      %add3A_668 = arith.addf %add3A_646, %gather3A_667 : vector<16xf32>
      %broadcast_in_dim3A_669 = vector.shape_cast %xor3A_57 : vector<16xi32> to vector<16x1xi32>
      %gather3A_670 = vector.shape_cast %broadcast_in_dim3A_669 : vector<16x1xi32> to vector<16xi32>
      %gather3A_671 = tpu.dynamic_gather %add3A_668[%gather3A_670] in [0] : vector<16xf32>, vector<16xi32> -> vector<16xf32>
      %add3A_672 = arith.addf %add3A_668, %gather3A_671 : vector<16xf32>
      %broadcast_in_dim3A_673 = vector.shape_cast %xor3A_60 : vector<16xi32> to vector<16x1xi32>
      %gather3A_674 = vector.shape_cast %broadcast_in_dim3A_673 : vector<16x1xi32> to vector<16xi32>
      %gather3A_675 = tpu.dynamic_gather %add3A_672[%gather3A_674] in [0] : vector<16xf32>, vector<16xi32> -> vector<16xf32>
      %add3A_676 = arith.addf %add3A_672, %gather3A_675 : vector<16xf32>
      %broadcast_in_dim3A_677 = vector.shape_cast %xor3A_63 : vector<16xi32> to vector<16x1xi32>
      %gather3A_678 = vector.shape_cast %broadcast_in_dim3A_677 : vector<16x1xi32> to vector<16xi32>
      %gather3A_679 = tpu.dynamic_gather %add3A_676[%gather3A_678] in [0] : vector<16xf32>, vector<16xi32> -> vector<16xf32>
      %add3A_680 = arith.addf %add3A_676, %gather3A_679 : vector<16xf32>
      %mul3A_681 = vector.broadcast %scan3A_64 : f32 to vector<16xf32>
      %mul3A_682 = arith.mulf %add3A_680, %mul3A_681 : vector<16xf32>
      %mul3A_683 = arith.mulf %mul3A_664, %mul3A_664 : vector<16xf32>
      %sub3A_684 = arith.subf %mul3A_682, %mul3A_683 : vector<16xf32>
      %add3A_685 = arith.constant 9.99999974E-6 : f32
      %add3A_686 = vector.broadcast %add3A_685 : f32 to vector<16xf32>
      %add3A_687 = arith.addf %sub3A_684, %add3A_686 : vector<16xf32>
      %bitcast3A_688 = vector.bitcast %add3A_687 : vector<16xf32> to vector<16xi32>
      %shift_right_arithmetic3A_689 = arith.constant 1 : i32
      %shift_right_arithmetic3A_690 = vector.broadcast %shift_right_arithmetic3A_689 : i32 to vector<16xi32>
      %shift_right_arithmetic3A_691 = arith.shrsi %bitcast3A_688, %shift_right_arithmetic3A_690 : vector<16xi32>
      %sub3A_692 = arith.constant 1597463007 : i32
      %sub3A_693 = vector.broadcast %sub3A_692 : i32 to vector<16xi32>
      %sub3A_694 = arith.subi %sub3A_693, %shift_right_arithmetic3A_691 : vector<16xi32>
      %bitcast3A_695 = vector.bitcast %sub3A_694 : vector<16xi32> to vector<16xf32>
      %mul3A_696 = arith.constant 5.000000e-01 : f32
      %mul3A_697 = vector.broadcast %mul3A_696 : f32 to vector<16xf32>
      %mul3A_698 = arith.mulf %mul3A_697, %add3A_687 : vector<16xf32>
      %mul3A_699 = arith.mulf %mul3A_698, %bitcast3A_695 : vector<16xf32>
      %mul3A_700 = arith.mulf %mul3A_699, %bitcast3A_695 : vector<16xf32>
      %sub3A_701 = arith.constant 1.500000e+00 : f32
      %sub3A_702 = vector.broadcast %sub3A_701 : f32 to vector<16xf32>
      %sub3A_703 = arith.subf %sub3A_702, %mul3A_700 : vector<16xf32>
      %mul3A_704 = arith.mulf %bitcast3A_695, %sub3A_703 : vector<16xf32>
      %mul3A_705 = arith.constant 5.000000e-01 : f32
      %mul3A_706 = vector.broadcast %mul3A_705 : f32 to vector<16xf32>
      %mul3A_707 = arith.mulf %mul3A_706, %add3A_687 : vector<16xf32>
      %mul3A_708 = arith.mulf %mul3A_707, %mul3A_704 : vector<16xf32>
      %mul3A_709 = arith.mulf %mul3A_708, %mul3A_704 : vector<16xf32>
      %sub3A_710 = arith.constant 1.500000e+00 : f32
      %sub3A_711 = vector.broadcast %sub3A_710 : f32 to vector<16xf32>
      %sub3A_712 = arith.subf %sub3A_711, %mul3A_709 : vector<16xf32>
      %mul3A_713 = arith.mulf %mul3A_704, %sub3A_712 : vector<16xf32>
      %mul3A_714 = arith.constant 5.000000e-01 : f32
      %mul3A_715 = vector.broadcast %mul3A_714 : f32 to vector<16xf32>
      %mul3A_716 = arith.mulf %mul3A_715, %add3A_687 : vector<16xf32>
      %mul3A_717 = arith.mulf %mul3A_716, %mul3A_713 : vector<16xf32>
      %mul3A_718 = arith.mulf %mul3A_717, %mul3A_713 : vector<16xf32>
      %sub3A_719 = arith.constant 1.500000e+00 : f32
      %sub3A_720 = vector.broadcast %sub3A_719 : f32 to vector<16xf32>
      %sub3A_721 = arith.subf %sub3A_720, %mul3A_718 : vector<16xf32>
      %mul3A_722 = arith.mulf %mul3A_713, %sub3A_721 : vector<16xf32>
      %sub3A_723 = arith.subf %get3A_603, %mul3A_664 : vector<16xf32>
      %mul3A_724 = arith.mulf %sub3A_723, %mul3A_722 : vector<16xf32>
      %mul3A_725 = arith.mulf %mul3A_724, %get3A_22 : vector<16xf32>
      %add3A_726 = arith.addf %mul3A_725, %get3A_38 : vector<16xf32>
      %swap3A_727 = arith.index_cast %add3A_600 : i32 to index
      %swap3A_728 = arith.constant 0 : index
      %swap3A_729 = tpu.vector_load %arg9[%swap3A_727, %swap3A_728] {strides = array<i32>} : memref<64x128xf32, #tpu.memory_space<vmem>>, vector<16xf32>,
      tpu.vector_store %arg9[%swap3A_727, %swap3A_728], %add3A_726 {strides = array<i32>} : memref<64x128xf32, #tpu.memory_space<vmem>>, vector<16xf32>,
      %sub3A_730 = arith.subf %get3A_606, %mul3A_664 : vector<16xf32>
      %mul3A_731 = arith.mulf %sub3A_730, %mul3A_722 : vector<16xf32>
      %mul3A_732 = arith.mulf %mul3A_731, %get3A_24 : vector<16xf32>
      %add3A_733 = arith.addf %mul3A_732, %get3A_40 : vector<16xf32>
      %swap3A_734 = arith.index_cast %add3A_600 : i32 to index
      %swap3A_735 = arith.constant 16 : index
      %swap3A_736 = tpu.vector_load %arg9[%swap3A_734, %swap3A_735] {strides = array<i32>} : memref<64x128xf32, #tpu.memory_space<vmem>>, vector<16xf32>,
      tpu.vector_store %arg9[%swap3A_734, %swap3A_735], %add3A_733 {strides = array<i32>} : memref<64x128xf32, #tpu.memory_space<vmem>>, vector<16xf32>,
      %sub3A_737 = arith.subf %get3A_609, %mul3A_664 : vector<16xf32>
      %mul3A_738 = arith.mulf %sub3A_737, %mul3A_722 : vector<16xf32>
      %mul3A_739 = arith.mulf %mul3A_738, %get3A_26 : vector<16xf32>
      %add3A_740 = arith.addf %mul3A_739, %get3A_42 : vector<16xf32>
      %swap3A_741 = arith.index_cast %add3A_600 : i32 to index
      %swap3A_742 = arith.constant 32 : index
      %swap3A_743 = tpu.vector_load %arg9[%swap3A_741, %swap3A_742] {strides = array<i32>} : memref<64x128xf32, #tpu.memory_space<vmem>>, vector<16xf32>,
      tpu.vector_store %arg9[%swap3A_741, %swap3A_742], %add3A_740 {strides = array<i32>} : memref<64x128xf32, #tpu.memory_space<vmem>>, vector<16xf32>,
      %sub3A_744 = arith.subf %get3A_612, %mul3A_664 : vector<16xf32>
      %mul3A_745 = arith.mulf %sub3A_744, %mul3A_722 : vector<16xf32>
      %mul3A_746 = arith.mulf %mul3A_745, %get3A_28 : vector<16xf32>
      %add3A_747 = arith.addf %mul3A_746, %get3A_44 : vector<16xf32>
      %swap3A_748 = arith.index_cast %add3A_600 : i32 to index
      %swap3A_749 = arith.constant 48 : index
      %swap3A_750 = tpu.vector_load %arg9[%swap3A_748, %swap3A_749] {strides = array<i32>} : memref<64x128xf32, #tpu.memory_space<vmem>>, vector<16xf32>,
      tpu.vector_store %arg9[%swap3A_748, %swap3A_749], %add3A_747 {strides = array<i32>} : memref<64x128xf32, #tpu.memory_space<vmem>>, vector<16xf32>,
      %sub3A_751 = arith.subf %get3A_615, %mul3A_664 : vector<16xf32>
      %mul3A_752 = arith.mulf %sub3A_751, %mul3A_722 : vector<16xf32>
      %mul3A_753 = arith.mulf %mul3A_752, %get3A_30 : vector<16xf32>
      %add3A_754 = arith.addf %mul3A_753, %get3A_46 : vector<16xf32>
      %swap3A_755 = arith.index_cast %add3A_600 : i32 to index
      %swap3A_756 = arith.constant 64 : index
      %swap3A_757 = tpu.vector_load %arg9[%swap3A_755, %swap3A_756] {strides = array<i32>} : memref<64x128xf32, #tpu.memory_space<vmem>>, vector<16xf32>,
      tpu.vector_store %arg9[%swap3A_755, %swap3A_756], %add3A_754 {strides = array<i32>} : memref<64x128xf32, #tpu.memory_space<vmem>>, vector<16xf32>,
      %sub3A_758 = arith.subf %get3A_618, %mul3A_664 : vector<16xf32>
      %mul3A_759 = arith.mulf %sub3A_758, %mul3A_722 : vector<16xf32>
      %mul3A_760 = arith.mulf %mul3A_759, %get3A_32 : vector<16xf32>
      %add3A_761 = arith.addf %mul3A_760, %get3A_48 : vector<16xf32>
      %swap3A_762 = arith.index_cast %add3A_600 : i32 to index
      %swap3A_763 = arith.constant 80 : index
      %swap3A_764 = tpu.vector_load %arg9[%swap3A_762, %swap3A_763] {strides = array<i32>} : memref<64x128xf32, #tpu.memory_space<vmem>>, vector<16xf32>,
      tpu.vector_store %arg9[%swap3A_762, %swap3A_763], %add3A_761 {strides = array<i32>} : memref<64x128xf32, #tpu.memory_space<vmem>>, vector<16xf32>,
      %sub3A_765 = arith.subf %get3A_621, %mul3A_664 : vector<16xf32>
      %mul3A_766 = arith.mulf %sub3A_765, %mul3A_722 : vector<16xf32>
      %mul3A_767 = arith.mulf %mul3A_766, %get3A_34 : vector<16xf32>
      %add3A_768 = arith.addf %mul3A_767, %get3A_50 : vector<16xf32>
      %swap3A_769 = arith.index_cast %add3A_600 : i32 to index
      %swap3A_770 = arith.constant 96 : index
      %swap3A_771 = tpu.vector_load %arg9[%swap3A_769, %swap3A_770] {strides = array<i32>} : memref<64x128xf32, #tpu.memory_space<vmem>>, vector<16xf32>,
      tpu.vector_store %arg9[%swap3A_769, %swap3A_770], %add3A_768 {strides = array<i32>} : memref<64x128xf32, #tpu.memory_space<vmem>>, vector<16xf32>,
      %sub3A_772 = arith.subf %get3A_624, %mul3A_664 : vector<16xf32>
      %mul3A_773 = arith.mulf %sub3A_772, %mul3A_722 : vector<16xf32>
      %mul3A_774 = arith.mulf %mul3A_773, %get3A_36 : vector<16xf32>
      %add3A_775 = arith.addf %mul3A_774, %get3A_52 : vector<16xf32>
      %swap3A_776 = arith.index_cast %add3A_600 : i32 to index
      %swap3A_777 = arith.constant 112 : index
      %swap3A_778 = tpu.vector_load %arg9[%swap3A_776, %swap3A_777] {strides = array<i32>} : memref<64x128xf32, #tpu.memory_space<vmem>>, vector<16xf32>,
      tpu.vector_store %arg9[%swap3A_776, %swap3A_777], %add3A_775 {strides = array<i32>} : memref<64x128xf32, #tpu.memory_space<vmem>>, vector<16xf32>,
      %mul3A_779 = arith.constant 4 : i32
      %mul3A_780 = arith.muli %scan3A_238, %mul3A_779 : i32
      %add3A_781 = arith.constant 3 : i32
      %add3A_782 = arith.addi %mul3A_780, %add3A_781 : i32
      %get3A_783 = arith.index_cast %add3A_782 : i32 to index
      %get3A_784 = arith.constant 0 : index
      %get3A_785 = tpu.vector_load %arg9[%get3A_783, %get3A_784] {strides = array<i32>} : memref<64x128xf32, #tpu.memory_space<vmem>>, vector<16xf32>,
      %get3A_786 = arith.index_cast %add3A_782 : i32 to index
      %get3A_787 = arith.constant 16 : index
      %get3A_788 = tpu.vector_load %arg9[%get3A_786, %get3A_787] {strides = array<i32>} : memref<64x128xf32, #tpu.memory_space<vmem>>, vector<16xf32>,
      %get3A_789 = arith.index_cast %add3A_782 : i32 to index
      %get3A_790 = arith.constant 32 : index
      %get3A_791 = tpu.vector_load %arg9[%get3A_789, %get3A_790] {strides = array<i32>} : memref<64x128xf32, #tpu.memory_space<vmem>>, vector<16xf32>,
      %get3A_792 = arith.index_cast %add3A_782 : i32 to index
      %get3A_793 = arith.constant 48 : index
      %get3A_794 = tpu.vector_load %arg9[%get3A_792, %get3A_793] {strides = array<i32>} : memref<64x128xf32, #tpu.memory_space<vmem>>, vector<16xf32>,
      %get3A_795 = arith.index_cast %add3A_782 : i32 to index
      %get3A_796 = arith.constant 64 : index
      %get3A_797 = tpu.vector_load %arg9[%get3A_795, %get3A_796] {strides = array<i32>} : memref<64x128xf32, #tpu.memory_space<vmem>>, vector<16xf32>,
      %get3A_798 = arith.index_cast %add3A_782 : i32 to index
      %get3A_799 = arith.constant 80 : index
      %get3A_800 = tpu.vector_load %arg9[%get3A_798, %get3A_799] {strides = array<i32>} : memref<64x128xf32, #tpu.memory_space<vmem>>, vector<16xf32>,
      %get3A_801 = arith.index_cast %add3A_782 : i32 to index
      %get3A_802 = arith.constant 96 : index
      %get3A_803 = tpu.vector_load %arg9[%get3A_801, %get3A_802] {strides = array<i32>} : memref<64x128xf32, #tpu.memory_space<vmem>>, vector<16xf32>,
      %get3A_804 = arith.index_cast %add3A_782 : i32 to index
      %get3A_805 = arith.constant 112 : index
      %get3A_806 = tpu.vector_load %arg9[%get3A_804, %get3A_805] {strides = array<i32>} : memref<64x128xf32, #tpu.memory_space<vmem>>, vector<16xf32>,
      %add3A_807 = arith.addf %get3A_785, %get3A_788 : vector<16xf32>
      %add3A_808 = arith.addf %get3A_791, %get3A_794 : vector<16xf32>
      %add3A_809 = arith.addf %get3A_797, %get3A_800 : vector<16xf32>
      %add3A_810 = arith.addf %get3A_803, %get3A_806 : vector<16xf32>
      %add3A_811 = arith.addf %add3A_807, %add3A_808 : vector<16xf32>
      %add3A_812 = arith.addf %add3A_809, %add3A_810 : vector<16xf32>
      %add3A_813 = arith.addf %add3A_811, %add3A_812 : vector<16xf32>
      %mul3A_814 = arith.mulf %get3A_785, %get3A_785 : vector<16xf32>
      %mul3A_815 = arith.mulf %get3A_788, %get3A_788 : vector<16xf32>
      %add3A_816 = arith.addf %mul3A_814, %mul3A_815 : vector<16xf32>
      %mul3A_817 = arith.mulf %get3A_791, %get3A_791 : vector<16xf32>
      %mul3A_818 = arith.mulf %get3A_794, %get3A_794 : vector<16xf32>
      %add3A_819 = arith.addf %mul3A_817, %mul3A_818 : vector<16xf32>
      %mul3A_820 = arith.mulf %get3A_797, %get3A_797 : vector<16xf32>
      %mul3A_821 = arith.mulf %get3A_800, %get3A_800 : vector<16xf32>
      %add3A_822 = arith.addf %mul3A_820, %mul3A_821 : vector<16xf32>
      %mul3A_823 = arith.mulf %get3A_803, %get3A_803 : vector<16xf32>
      %mul3A_824 = arith.mulf %get3A_806, %get3A_806 : vector<16xf32>
      %add3A_825 = arith.addf %mul3A_823, %mul3A_824 : vector<16xf32>
      %add3A_826 = arith.addf %add3A_816, %add3A_819 : vector<16xf32>
      %add3A_827 = arith.addf %add3A_822, %add3A_825 : vector<16xf32>
      %add3A_828 = arith.addf %add3A_826, %add3A_827 : vector<16xf32>
      %broadcast_in_dim3A_829 = vector.shape_cast %xor3A_54 : vector<16xi32> to vector<16x1xi32>
      %gather3A_830 = vector.shape_cast %broadcast_in_dim3A_829 : vector<16x1xi32> to vector<16xi32>
      %gather3A_831 = tpu.dynamic_gather %add3A_813[%gather3A_830] in [0] : vector<16xf32>, vector<16xi32> -> vector<16xf32>
      %add3A_832 = arith.addf %add3A_813, %gather3A_831 : vector<16xf32>
      %broadcast_in_dim3A_833 = vector.shape_cast %xor3A_57 : vector<16xi32> to vector<16x1xi32>
      %gather3A_834 = vector.shape_cast %broadcast_in_dim3A_833 : vector<16x1xi32> to vector<16xi32>
      %gather3A_835 = tpu.dynamic_gather %add3A_832[%gather3A_834] in [0] : vector<16xf32>, vector<16xi32> -> vector<16xf32>
      %add3A_836 = arith.addf %add3A_832, %gather3A_835 : vector<16xf32>
      %broadcast_in_dim3A_837 = vector.shape_cast %xor3A_60 : vector<16xi32> to vector<16x1xi32>
      %gather3A_838 = vector.shape_cast %broadcast_in_dim3A_837 : vector<16x1xi32> to vector<16xi32>
      %gather3A_839 = tpu.dynamic_gather %add3A_836[%gather3A_838] in [0] : vector<16xf32>, vector<16xi32> -> vector<16xf32>
      %add3A_840 = arith.addf %add3A_836, %gather3A_839 : vector<16xf32>
      %broadcast_in_dim3A_841 = vector.shape_cast %xor3A_63 : vector<16xi32> to vector<16x1xi32>
      %gather3A_842 = vector.shape_cast %broadcast_in_dim3A_841 : vector<16x1xi32> to vector<16xi32>
      %gather3A_843 = tpu.dynamic_gather %add3A_840[%gather3A_842] in [0] : vector<16xf32>, vector<16xi32> -> vector<16xf32>
      %add3A_844 = arith.addf %add3A_840, %gather3A_843 : vector<16xf32>
      %mul3A_845 = vector.broadcast %scan3A_64 : f32 to vector<16xf32>
      %mul3A_846 = arith.mulf %add3A_844, %mul3A_845 : vector<16xf32>
      %broadcast_in_dim3A_847 = vector.shape_cast %xor3A_54 : vector<16xi32> to vector<16x1xi32>
      %gather3A_848 = vector.shape_cast %broadcast_in_dim3A_847 : vector<16x1xi32> to vector<16xi32>
      %gather3A_849 = tpu.dynamic_gather %add3A_828[%gather3A_848] in [0] : vector<16xf32>, vector<16xi32> -> vector<16xf32>
      %add3A_850 = arith.addf %add3A_828, %gather3A_849 : vector<16xf32>
      %broadcast_in_dim3A_851 = vector.shape_cast %xor3A_57 : vector<16xi32> to vector<16x1xi32>
      %gather3A_852 = vector.shape_cast %broadcast_in_dim3A_851 : vector<16x1xi32> to vector<16xi32>
      %gather3A_853 = tpu.dynamic_gather %add3A_850[%gather3A_852] in [0] : vector<16xf32>, vector<16xi32> -> vector<16xf32>
      %add3A_854 = arith.addf %add3A_850, %gather3A_853 : vector<16xf32>
      %broadcast_in_dim3A_855 = vector.shape_cast %xor3A_60 : vector<16xi32> to vector<16x1xi32>
      %gather3A_856 = vector.shape_cast %broadcast_in_dim3A_855 : vector<16x1xi32> to vector<16xi32>
      %gather3A_857 = tpu.dynamic_gather %add3A_854[%gather3A_856] in [0] : vector<16xf32>, vector<16xi32> -> vector<16xf32>
      %add3A_858 = arith.addf %add3A_854, %gather3A_857 : vector<16xf32>
      %broadcast_in_dim3A_859 = vector.shape_cast %xor3A_63 : vector<16xi32> to vector<16x1xi32>
      %gather3A_860 = vector.shape_cast %broadcast_in_dim3A_859 : vector<16x1xi32> to vector<16xi32>
      %gather3A_861 = tpu.dynamic_gather %add3A_858[%gather3A_860] in [0] : vector<16xf32>, vector<16xi32> -> vector<16xf32>
      %add3A_862 = arith.addf %add3A_858, %gather3A_861 : vector<16xf32>
      %mul3A_863 = vector.broadcast %scan3A_64 : f32 to vector<16xf32>
      %mul3A_864 = arith.mulf %add3A_862, %mul3A_863 : vector<16xf32>
      %mul3A_865 = arith.mulf %mul3A_846, %mul3A_846 : vector<16xf32>
      %sub3A_866 = arith.subf %mul3A_864, %mul3A_865 : vector<16xf32>
      %add3A_867 = arith.constant 9.99999974E-6 : f32
      %add3A_868 = vector.broadcast %add3A_867 : f32 to vector<16xf32>
      %add3A_869 = arith.addf %sub3A_866, %add3A_868 : vector<16xf32>
      %bitcast3A_870 = vector.bitcast %add3A_869 : vector<16xf32> to vector<16xi32>
      %shift_right_arithmetic3A_871 = arith.constant 1 : i32
      %shift_right_arithmetic3A_872 = vector.broadcast %shift_right_arithmetic3A_871 : i32 to vector<16xi32>
      %shift_right_arithmetic3A_873 = arith.shrsi %bitcast3A_870, %shift_right_arithmetic3A_872 : vector<16xi32>
      %sub3A_874 = arith.constant 1597463007 : i32
      %sub3A_875 = vector.broadcast %sub3A_874 : i32 to vector<16xi32>
      %sub3A_876 = arith.subi %sub3A_875, %shift_right_arithmetic3A_873 : vector<16xi32>
      %bitcast3A_877 = vector.bitcast %sub3A_876 : vector<16xi32> to vector<16xf32>
      %mul3A_878 = arith.constant 5.000000e-01 : f32
      %mul3A_879 = vector.broadcast %mul3A_878 : f32 to vector<16xf32>
      %mul3A_880 = arith.mulf %mul3A_879, %add3A_869 : vector<16xf32>
      %mul3A_881 = arith.mulf %mul3A_880, %bitcast3A_877 : vector<16xf32>
      %mul3A_882 = arith.mulf %mul3A_881, %bitcast3A_877 : vector<16xf32>
      %sub3A_883 = arith.constant 1.500000e+00 : f32
      %sub3A_884 = vector.broadcast %sub3A_883 : f32 to vector<16xf32>
      %sub3A_885 = arith.subf %sub3A_884, %mul3A_882 : vector<16xf32>
      %mul3A_886 = arith.mulf %bitcast3A_877, %sub3A_885 : vector<16xf32>
      %mul3A_887 = arith.constant 5.000000e-01 : f32
      %mul3A_888 = vector.broadcast %mul3A_887 : f32 to vector<16xf32>
      %mul3A_889 = arith.mulf %mul3A_888, %add3A_869 : vector<16xf32>
      %mul3A_890 = arith.mulf %mul3A_889, %mul3A_886 : vector<16xf32>
      %mul3A_891 = arith.mulf %mul3A_890, %mul3A_886 : vector<16xf32>
      %sub3A_892 = arith.constant 1.500000e+00 : f32
      %sub3A_893 = vector.broadcast %sub3A_892 : f32 to vector<16xf32>
      %sub3A_894 = arith.subf %sub3A_893, %mul3A_891 : vector<16xf32>
      %mul3A_895 = arith.mulf %mul3A_886, %sub3A_894 : vector<16xf32>
      %mul3A_896 = arith.constant 5.000000e-01 : f32
      %mul3A_897 = vector.broadcast %mul3A_896 : f32 to vector<16xf32>
      %mul3A_898 = arith.mulf %mul3A_897, %add3A_869 : vector<16xf32>
      %mul3A_899 = arith.mulf %mul3A_898, %mul3A_895 : vector<16xf32>
      %mul3A_900 = arith.mulf %mul3A_899, %mul3A_895 : vector<16xf32>
      %sub3A_901 = arith.constant 1.500000e+00 : f32
      %sub3A_902 = vector.broadcast %sub3A_901 : f32 to vector<16xf32>
      %sub3A_903 = arith.subf %sub3A_902, %mul3A_900 : vector<16xf32>
      %mul3A_904 = arith.mulf %mul3A_895, %sub3A_903 : vector<16xf32>
      %sub3A_905 = arith.subf %get3A_785, %mul3A_846 : vector<16xf32>
      %mul3A_906 = arith.mulf %sub3A_905, %mul3A_904 : vector<16xf32>
      %mul3A_907 = arith.mulf %mul3A_906, %get3A_22 : vector<16xf32>
      %add3A_908 = arith.addf %mul3A_907, %get3A_38 : vector<16xf32>
      %swap3A_909 = arith.index_cast %add3A_782 : i32 to index
      %swap3A_910 = arith.constant 0 : index
      %swap3A_911 = tpu.vector_load %arg9[%swap3A_909, %swap3A_910] {strides = array<i32>} : memref<64x128xf32, #tpu.memory_space<vmem>>, vector<16xf32>,
      tpu.vector_store %arg9[%swap3A_909, %swap3A_910], %add3A_908 {strides = array<i32>} : memref<64x128xf32, #tpu.memory_space<vmem>>, vector<16xf32>,
      %sub3A_912 = arith.subf %get3A_788, %mul3A_846 : vector<16xf32>
      %mul3A_913 = arith.mulf %sub3A_912, %mul3A_904 : vector<16xf32>
      %mul3A_914 = arith.mulf %mul3A_913, %get3A_24 : vector<16xf32>
      %add3A_915 = arith.addf %mul3A_914, %get3A_40 : vector<16xf32>
      %swap3A_916 = arith.index_cast %add3A_782 : i32 to index
      %swap3A_917 = arith.constant 16 : index
      %swap3A_918 = tpu.vector_load %arg9[%swap3A_916, %swap3A_917] {strides = array<i32>} : memref<64x128xf32, #tpu.memory_space<vmem>>, vector<16xf32>,
      tpu.vector_store %arg9[%swap3A_916, %swap3A_917], %add3A_915 {strides = array<i32>} : memref<64x128xf32, #tpu.memory_space<vmem>>, vector<16xf32>,
      %sub3A_919 = arith.subf %get3A_791, %mul3A_846 : vector<16xf32>
      %mul3A_920 = arith.mulf %sub3A_919, %mul3A_904 : vector<16xf32>
      %mul3A_921 = arith.mulf %mul3A_920, %get3A_26 : vector<16xf32>
      %add3A_922 = arith.addf %mul3A_921, %get3A_42 : vector<16xf32>
      %swap3A_923 = arith.index_cast %add3A_782 : i32 to index
      %swap3A_924 = arith.constant 32 : index
      %swap3A_925 = tpu.vector_load %arg9[%swap3A_923, %swap3A_924] {strides = array<i32>} : memref<64x128xf32, #tpu.memory_space<vmem>>, vector<16xf32>,
      tpu.vector_store %arg9[%swap3A_923, %swap3A_924], %add3A_922 {strides = array<i32>} : memref<64x128xf32, #tpu.memory_space<vmem>>, vector<16xf32>,
      %sub3A_926 = arith.subf %get3A_794, %mul3A_846 : vector<16xf32>
      %mul3A_927 = arith.mulf %sub3A_926, %mul3A_904 : vector<16xf32>
      %mul3A_928 = arith.mulf %mul3A_927, %get3A_28 : vector<16xf32>
      %add3A_929 = arith.addf %mul3A_928, %get3A_44 : vector<16xf32>
      %swap3A_930 = arith.index_cast %add3A_782 : i32 to index
      %swap3A_931 = arith.constant 48 : index
      %swap3A_932 = tpu.vector_load %arg9[%swap3A_930, %swap3A_931] {strides = array<i32>} : memref<64x128xf32, #tpu.memory_space<vmem>>, vector<16xf32>,
      tpu.vector_store %arg9[%swap3A_930, %swap3A_931], %add3A_929 {strides = array<i32>} : memref<64x128xf32, #tpu.memory_space<vmem>>, vector<16xf32>,
      %sub3A_933 = arith.subf %get3A_797, %mul3A_846 : vector<16xf32>
      %mul3A_934 = arith.mulf %sub3A_933, %mul3A_904 : vector<16xf32>
      %mul3A_935 = arith.mulf %mul3A_934, %get3A_30 : vector<16xf32>
      %add3A_936 = arith.addf %mul3A_935, %get3A_46 : vector<16xf32>
      %swap3A_937 = arith.index_cast %add3A_782 : i32 to index
      %swap3A_938 = arith.constant 64 : index
      %swap3A_939 = tpu.vector_load %arg9[%swap3A_937, %swap3A_938] {strides = array<i32>} : memref<64x128xf32, #tpu.memory_space<vmem>>, vector<16xf32>,
      tpu.vector_store %arg9[%swap3A_937, %swap3A_938], %add3A_936 {strides = array<i32>} : memref<64x128xf32, #tpu.memory_space<vmem>>, vector<16xf32>,
      %sub3A_940 = arith.subf %get3A_800, %mul3A_846 : vector<16xf32>
      %mul3A_941 = arith.mulf %sub3A_940, %mul3A_904 : vector<16xf32>
      %mul3A_942 = arith.mulf %mul3A_941, %get3A_32 : vector<16xf32>
      %add3A_943 = arith.addf %mul3A_942, %get3A_48 : vector<16xf32>
      %swap3A_944 = arith.index_cast %add3A_782 : i32 to index
      %swap3A_945 = arith.constant 80 : index
      %swap3A_946 = tpu.vector_load %arg9[%swap3A_944, %swap3A_945] {strides = array<i32>} : memref<64x128xf32, #tpu.memory_space<vmem>>, vector<16xf32>,
      tpu.vector_store %arg9[%swap3A_944, %swap3A_945], %add3A_943 {strides = array<i32>} : memref<64x128xf32, #tpu.memory_space<vmem>>, vector<16xf32>,
      %sub3A_947 = arith.subf %get3A_803, %mul3A_846 : vector<16xf32>
      %mul3A_948 = arith.mulf %sub3A_947, %mul3A_904 : vector<16xf32>
      %mul3A_949 = arith.mulf %mul3A_948, %get3A_34 : vector<16xf32>
      %add3A_950 = arith.addf %mul3A_949, %get3A_50 : vector<16xf32>
      %swap3A_951 = arith.index_cast %add3A_782 : i32 to index
      %swap3A_952 = arith.constant 96 : index
      %swap3A_953 = tpu.vector_load %arg9[%swap3A_951, %swap3A_952] {strides = array<i32>} : memref<64x128xf32, #tpu.memory_space<vmem>>, vector<16xf32>,
      tpu.vector_store %arg9[%swap3A_951, %swap3A_952], %add3A_950 {strides = array<i32>} : memref<64x128xf32, #tpu.memory_space<vmem>>, vector<16xf32>,
      %sub3A_954 = arith.subf %get3A_806, %mul3A_846 : vector<16xf32>
      %mul3A_955 = arith.mulf %sub3A_954, %mul3A_904 : vector<16xf32>
      %mul3A_956 = arith.mulf %mul3A_955, %get3A_36 : vector<16xf32>
      %add3A_957 = arith.addf %mul3A_956, %get3A_52 : vector<16xf32>
      %swap3A_958 = arith.index_cast %add3A_782 : i32 to index
      %swap3A_959 = arith.constant 112 : index
      %swap3A_960 = tpu.vector_load %arg9[%swap3A_958, %swap3A_959] {strides = array<i32>} : memref<64x128xf32, #tpu.memory_space<vmem>>, vector<16xf32>,
      tpu.vector_store %arg9[%swap3A_958, %swap3A_959], %add3A_957 {strides = array<i32>} : memref<64x128xf32, #tpu.memory_space<vmem>>, vector<16xf32>,
    }
    %scan3A_69 = arith.constant 16 : i32
    "tpu.region"() ({
      %run_scoped3A = tpu.sem_alloc : memref<!tpu.dma_semaphore, #tpu.memory_space<semaphore_mem>>
      %dma_start3A_238 = arith.constant 0 : i32
      %dma_start3A_239 = tpu.memref_slice %arg12[%min3A_5, %dma_start3A_238] : memref<1000x128xf32, #tpu.memory_space<vmem_shared>> -> memref<64x128xf32, #tpu.memory_space<vmem_shared>>
      %dma_start3A_240 = arith.constant 0 : i32
      %dma_start3A_241 = tpu.memref_slice %arg12[%min3A_5, %dma_start3A_240] : memref<1000x128xf32, #tpu.memory_space<vmem_shared>> -> memref<64x128xf32, #tpu.memory_space<vmem_shared>>
      tpu.enqueue_dma source(%arg9 : memref<64x128xf32, #tpu.memory_space<vmem>>) target(%dma_start3A_241 : memref<64x128xf32, #tpu.memory_space<vmem_shared>>) target_semaphore(%run_scoped3A : memref<!tpu.dma_semaphore, #tpu.memory_space<semaphore_mem>>)
      %dma_wait3A_242 = arith.constant 0 : i32
      %dma_wait3A_243 = tpu.memref_slice %arg12[%min3A_5, %dma_wait3A_242] : memref<1000x128xf32, #tpu.memory_space<vmem_shared>> -> memref<64x128xf32, #tpu.memory_space<vmem_shared>>
      %dma_wait3A_244 = arith.constant 0 : i32
      %dma_wait3A_245 = tpu.memref_slice %arg12[%min3A_5, %dma_wait3A_244] : memref<1000x128xf32, #tpu.memory_space<vmem_shared>> -> memref<64x128xf32, #tpu.memory_space<vmem_shared>>
      tpu.wait_dma2 semaphore(%run_scoped3A : memref<!tpu.dma_semaphore, #tpu.memory_space<semaphore_mem>>) src(%arg9 : memref<64x128xf32, #tpu.memory_space<vmem>>) dst(%dma_wait3A_245 : memref<64x128xf32, #tpu.memory_space<vmem_shared>>)
      tpu.yield
    }) : () -> ()
    %barrier3A = arith.constant 0 : index
    tpu.barrier barrier_id(%barrier3A)
    %dma_start3A_70 = arith.constant 0 : i32
    %dma_start3A_71 = arith.constant 0 : i32
    %dma_start3A_72 = arith.constant 0 : i32
    %dma_start3A_73 = tpu.memref_slice %arg8[%dma_start3A_71, %dma_start3A_72] : memref<512x128xf32, #tpu.memory_space<vmem>> -> memref<128x128xf32, #tpu.memory_space<vmem>>
    %dma_start3A_74 = arith.constant 0 : i32
    %dma_start3A_75 = tpu.memref_slice %arg7[%dma_start3A_70, %dma_start3A_74] : memref<4x128xi32, #tpu.memory_space<vmem>> -> memref<1x128xi32, #tpu.memory_space<vmem>>
    %dma_start3A_76 = tpu.memref_squeeze %dma_start3A_75 : memref<1x128xi32, #tpu.memory_space<vmem>> -> memref<128xi32, #tpu.memory_space<vmem>>
    %dma_start3A_77 = arith.constant 0 : i32
    %dma_start3A_78 = arith.constant 0 : i32
    %dma_start3A_79 = tpu.memref_slice %arg12[%dma_start3A_77, %dma_start3A_78] : memref<1000x128xf32, #tpu.memory_space<vmem_shared>> -> memref<1000x128xf32, #tpu.memory_space<vmem_shared>>
    tpu.enqueue_indirect_dma source(%dma_start3A_79 : memref<1000x128xf32, #tpu.memory_space<vmem_shared>>) target(%dma_start3A_73 : memref<128x128xf32, #tpu.memory_space<vmem>>) offsets(%dma_start3A_76 : memref<128xi32, #tpu.memory_space<vmem>>) semaphore(%arg13 : memref<!tpu.dma_semaphore, #tpu.memory_space<semaphore_mem>>)
    %dma_start3A_80 = arith.constant 1 : i32
    %dma_start3A_81 = arith.constant 128 : i32
    %dma_start3A_82 = arith.constant 0 : i32
    %dma_start3A_83 = tpu.memref_slice %arg8[%dma_start3A_81, %dma_start3A_82] : memref<512x128xf32, #tpu.memory_space<vmem>> -> memref<128x128xf32, #tpu.memory_space<vmem>>
    %dma_start3A_84 = arith.constant 0 : i32
    %dma_start3A_85 = tpu.memref_slice %arg7[%dma_start3A_80, %dma_start3A_84] : memref<4x128xi32, #tpu.memory_space<vmem>> -> memref<1x128xi32, #tpu.memory_space<vmem>>
    %dma_start3A_86 = tpu.memref_squeeze %dma_start3A_85 : memref<1x128xi32, #tpu.memory_space<vmem>> -> memref<128xi32, #tpu.memory_space<vmem>>
    %dma_start3A_87 = arith.constant 0 : i32
    %dma_start3A_88 = arith.constant 0 : i32
    %dma_start3A_89 = tpu.memref_slice %arg12[%dma_start3A_87, %dma_start3A_88] : memref<1000x128xf32, #tpu.memory_space<vmem_shared>> -> memref<1000x128xf32, #tpu.memory_space<vmem_shared>>
    tpu.enqueue_indirect_dma source(%dma_start3A_89 : memref<1000x128xf32, #tpu.memory_space<vmem_shared>>) target(%dma_start3A_83 : memref<128x128xf32, #tpu.memory_space<vmem>>) offsets(%dma_start3A_86 : memref<128xi32, #tpu.memory_space<vmem>>) semaphore(%arg14 : memref<!tpu.dma_semaphore, #tpu.memory_space<semaphore_mem>>)
    %dma_wait3A_90 = arith.constant 0 : i32
    %dma_wait3A_91 = arith.constant 0 : i32
    %dma_wait3A_92 = arith.constant 0 : i32
    %dma_wait3A_93 = tpu.memref_slice %arg8[%dma_wait3A_91, %dma_wait3A_92] : memref<512x128xf32, #tpu.memory_space<vmem>> -> memref<128x128xf32, #tpu.memory_space<vmem>>
    %dma_wait3A_94 = arith.constant 0 : i32
    %dma_wait3A_95 = tpu.memref_slice %arg7[%dma_wait3A_90, %dma_wait3A_94] : memref<4x128xi32, #tpu.memory_space<vmem>> -> memref<1x128xi32, #tpu.memory_space<vmem>>
    %dma_wait3A_96 = tpu.memref_squeeze %dma_wait3A_95 : memref<1x128xi32, #tpu.memory_space<vmem>> -> memref<128xi32, #tpu.memory_space<vmem>>
    %dma_wait3A_97 = arith.constant 0 : i32
    %dma_wait3A_98 = arith.constant 0 : i32
    %dma_wait3A_99 = tpu.memref_slice %arg12[%dma_wait3A_97, %dma_wait3A_98] : memref<1000x128xf32, #tpu.memory_space<vmem_shared>> -> memref<1000x128xf32, #tpu.memory_space<vmem_shared>>
    tpu.wait_indirect_dma semaphore(%arg13 : memref<!tpu.dma_semaphore, #tpu.memory_space<semaphore_mem>>) src(%dma_wait3A_99 : memref<1000x128xf32, #tpu.memory_space<vmem_shared>>) dst(%dma_wait3A_93 : memref<128x128xf32, #tpu.memory_space<vmem>>)
    %dma_start3A_100 = arith.constant 2 : i32
    %dma_start3A_101 = arith.constant 256 : i32
    %dma_start3A_102 = arith.constant 0 : i32
    %dma_start3A_103 = tpu.memref_slice %arg8[%dma_start3A_101, %dma_start3A_102] : memref<512x128xf32, #tpu.memory_space<vmem>> -> memref<128x128xf32, #tpu.memory_space<vmem>>
    %dma_start3A_104 = arith.constant 0 : i32
    %dma_start3A_105 = tpu.memref_slice %arg7[%dma_start3A_100, %dma_start3A_104] : memref<4x128xi32, #tpu.memory_space<vmem>> -> memref<1x128xi32, #tpu.memory_space<vmem>>
    %dma_start3A_106 = tpu.memref_squeeze %dma_start3A_105 : memref<1x128xi32, #tpu.memory_space<vmem>> -> memref<128xi32, #tpu.memory_space<vmem>>
    %dma_start3A_107 = arith.constant 0 : i32
    %dma_start3A_108 = arith.constant 0 : i32
    %dma_start3A_109 = tpu.memref_slice %arg12[%dma_start3A_107, %dma_start3A_108] : memref<1000x128xf32, #tpu.memory_space<vmem_shared>> -> memref<1000x128xf32, #tpu.memory_space<vmem_shared>>
    tpu.enqueue_indirect_dma source(%dma_start3A_109 : memref<1000x128xf32, #tpu.memory_space<vmem_shared>>) target(%dma_start3A_103 : memref<128x128xf32, #tpu.memory_space<vmem>>) offsets(%dma_start3A_106 : memref<128xi32, #tpu.memory_space<vmem>>) semaphore(%arg13 : memref<!tpu.dma_semaphore, #tpu.memory_space<semaphore_mem>>)
    %add3A_110 = arith.constant 0 : i32
    %add3A_111 = arith.addi %mul3A_2, %add3A_110 : i32
    %dma_start3A_112 = arith.constant 0 : i32
    %dma_start3A_113 = arith.constant 0 : i32
    %dma_start3A_114 = tpu.memref_slice %arg8[%dma_start3A_112, %dma_start3A_113] : memref<512x128xf32, #tpu.memory_space<vmem>> -> memref<128x128xf32, #tpu.memory_space<vmem>>
    %dma_start3A_115 = arith.constant 0 : i32
    %dma_start3A_116 = tpu.memref_slice %arg6[%add3A_111, %dma_start3A_115] : memref<16384x128xf32, #tpu.memory_space<hbm>> -> memref<128x128xf32, #tpu.memory_space<hbm>>
    %dma_start3A_117 = arith.constant 0 : i32
    %dma_start3A_118 = tpu.memref_slice %arg6[%add3A_111, %dma_start3A_117] : memref<16384x128xf32, #tpu.memory_space<hbm>> -> memref<128x128xf32, #tpu.memory_space<hbm>>
    %dma_start3A_119 = arith.constant 0 : i32
    %dma_start3A_120 = arith.constant 0 : i32
    %dma_start3A_121 = tpu.memref_slice %arg8[%dma_start3A_119, %dma_start3A_120] : memref<512x128xf32, #tpu.memory_space<vmem>> -> memref<128x128xf32, #tpu.memory_space<vmem>>
    tpu.enqueue_dma source(%dma_start3A_121 : memref<128x128xf32, #tpu.memory_space<vmem>>) target(%dma_start3A_118 : memref<128x128xf32, #tpu.memory_space<hbm>>) target_semaphore(%arg15 : memref<!tpu.dma_semaphore, #tpu.memory_space<semaphore_mem>>)
    %dma_wait3A_122 = arith.constant 1 : i32
    %dma_wait3A_123 = arith.constant 128 : i32
    %dma_wait3A_124 = arith.constant 0 : i32
    %dma_wait3A_125 = tpu.memref_slice %arg8[%dma_wait3A_123, %dma_wait3A_124] : memref<512x128xf32, #tpu.memory_space<vmem>> -> memref<128x128xf32, #tpu.memory_space<vmem>>
    %dma_wait3A_126 = arith.constant 0 : i32
    %dma_wait3A_127 = tpu.memref_slice %arg7[%dma_wait3A_122, %dma_wait3A_126] : memref<4x128xi32, #tpu.memory_space<vmem>> -> memref<1x128xi32, #tpu.memory_space<vmem>>
    %dma_wait3A_128 = tpu.memref_squeeze %dma_wait3A_127 : memref<1x128xi32, #tpu.memory_space<vmem>> -> memref<128xi32, #tpu.memory_space<vmem>>
    %dma_wait3A_129 = arith.constant 0 : i32
    %dma_wait3A_130 = arith.constant 0 : i32
    %dma_wait3A_131 = tpu.memref_slice %arg12[%dma_wait3A_129, %dma_wait3A_130] : memref<1000x128xf32, #tpu.memory_space<vmem_shared>> -> memref<1000x128xf32, #tpu.memory_space<vmem_shared>>
    tpu.wait_indirect_dma semaphore(%arg14 : memref<!tpu.dma_semaphore, #tpu.memory_space<semaphore_mem>>) src(%dma_wait3A_131 : memref<1000x128xf32, #tpu.memory_space<vmem_shared>>) dst(%dma_wait3A_125 : memref<128x128xf32, #tpu.memory_space<vmem>>)
    %dma_start3A_132 = arith.constant 3 : i32
    %dma_start3A_133 = arith.constant 384 : i32
    %dma_start3A_134 = arith.constant 0 : i32
    %dma_start3A_135 = tpu.memref_slice %arg8[%dma_start3A_133, %dma_start3A_134] : memref<512x128xf32, #tpu.memory_space<vmem>> -> memref<128x128xf32, #tpu.memory_space<vmem>>
    %dma_start3A_136 = arith.constant 0 : i32
    %dma_start3A_137 = tpu.memref_slice %arg7[%dma_start3A_132, %dma_start3A_136] : memref<4x128xi32, #tpu.memory_space<vmem>> -> memref<1x128xi32, #tpu.memory_space<vmem>>
    %dma_start3A_138 = tpu.memref_squeeze %dma_start3A_137 : memref<1x128xi32, #tpu.memory_space<vmem>> -> memref<128xi32, #tpu.memory_space<vmem>>
    %dma_start3A_139 = arith.constant 0 : i32
    %dma_start3A_140 = arith.constant 0 : i32
    %dma_start3A_141 = tpu.memref_slice %arg12[%dma_start3A_139, %dma_start3A_140] : memref<1000x128xf32, #tpu.memory_space<vmem_shared>> -> memref<1000x128xf32, #tpu.memory_space<vmem_shared>>
    tpu.enqueue_indirect_dma source(%dma_start3A_141 : memref<1000x128xf32, #tpu.memory_space<vmem_shared>>) target(%dma_start3A_135 : memref<128x128xf32, #tpu.memory_space<vmem>>) offsets(%dma_start3A_138 : memref<128xi32, #tpu.memory_space<vmem>>) semaphore(%arg14 : memref<!tpu.dma_semaphore, #tpu.memory_space<semaphore_mem>>)
    %add3A_142 = arith.constant 128 : i32
    %add3A_143 = arith.addi %mul3A_2, %add3A_142 : i32
    %dma_start3A_144 = arith.constant 128 : i32
    %dma_start3A_145 = arith.constant 0 : i32
    %dma_start3A_146 = tpu.memref_slice %arg8[%dma_start3A_144, %dma_start3A_145] : memref<512x128xf32, #tpu.memory_space<vmem>> -> memref<128x128xf32, #tpu.memory_space<vmem>>
    %dma_start3A_147 = arith.constant 0 : i32
    %dma_start3A_148 = tpu.memref_slice %arg6[%add3A_143, %dma_start3A_147] : memref<16384x128xf32, #tpu.memory_space<hbm>> -> memref<128x128xf32, #tpu.memory_space<hbm>>
    %dma_start3A_149 = arith.constant 0 : i32
    %dma_start3A_150 = tpu.memref_slice %arg6[%add3A_143, %dma_start3A_149] : memref<16384x128xf32, #tpu.memory_space<hbm>> -> memref<128x128xf32, #tpu.memory_space<hbm>>
    %dma_start3A_151 = arith.constant 128 : i32
    %dma_start3A_152 = arith.constant 0 : i32
    %dma_start3A_153 = tpu.memref_slice %arg8[%dma_start3A_151, %dma_start3A_152] : memref<512x128xf32, #tpu.memory_space<vmem>> -> memref<128x128xf32, #tpu.memory_space<vmem>>
    tpu.enqueue_dma source(%dma_start3A_153 : memref<128x128xf32, #tpu.memory_space<vmem>>) target(%dma_start3A_150 : memref<128x128xf32, #tpu.memory_space<hbm>>) target_semaphore(%arg15 : memref<!tpu.dma_semaphore, #tpu.memory_space<semaphore_mem>>)
    %dma_wait3A_154 = arith.constant 2 : i32
    %dma_wait3A_155 = arith.constant 256 : i32
    %dma_wait3A_156 = arith.constant 0 : i32
    %dma_wait3A_157 = tpu.memref_slice %arg8[%dma_wait3A_155, %dma_wait3A_156] : memref<512x128xf32, #tpu.memory_space<vmem>> -> memref<128x128xf32, #tpu.memory_space<vmem>>
    %dma_wait3A_158 = arith.constant 0 : i32
    %dma_wait3A_159 = tpu.memref_slice %arg7[%dma_wait3A_154, %dma_wait3A_158] : memref<4x128xi32, #tpu.memory_space<vmem>> -> memref<1x128xi32, #tpu.memory_space<vmem>>
    %dma_wait3A_160 = tpu.memref_squeeze %dma_wait3A_159 : memref<1x128xi32, #tpu.memory_space<vmem>> -> memref<128xi32, #tpu.memory_space<vmem>>
    %dma_wait3A_161 = arith.constant 0 : i32
    %dma_wait3A_162 = arith.constant 0 : i32
    %dma_wait3A_163 = tpu.memref_slice %arg12[%dma_wait3A_161, %dma_wait3A_162] : memref<1000x128xf32, #tpu.memory_space<vmem_shared>> -> memref<1000x128xf32, #tpu.memory_space<vmem_shared>>
    tpu.wait_indirect_dma semaphore(%arg13 : memref<!tpu.dma_semaphore, #tpu.memory_space<semaphore_mem>>) src(%dma_wait3A_163 : memref<1000x128xf32, #tpu.memory_space<vmem_shared>>) dst(%dma_wait3A_157 : memref<128x128xf32, #tpu.memory_space<vmem>>)
    %add3A_164 = arith.constant 256 : i32
    %add3A_165 = arith.addi %mul3A_2, %add3A_164 : i32
    %dma_start3A_166 = arith.constant 256 : i32
    %dma_start3A_167 = arith.constant 0 : i32
    %dma_start3A_168 = tpu.memref_slice %arg8[%dma_start3A_166, %dma_start3A_167] : memref<512x128xf32, #tpu.memory_space<vmem>> -> memref<128x128xf32, #tpu.memory_space<vmem>>
    %dma_start3A_169 = arith.constant 0 : i32
    %dma_start3A_170 = tpu.memref_slice %arg6[%add3A_165, %dma_start3A_169] : memref<16384x128xf32, #tpu.memory_space<hbm>> -> memref<128x128xf32, #tpu.memory_space<hbm>>
    %dma_start3A_171 = arith.constant 0 : i32
    %dma_start3A_172 = tpu.memref_slice %arg6[%add3A_165, %dma_start3A_171] : memref<16384x128xf32, #tpu.memory_space<hbm>> -> memref<128x128xf32, #tpu.memory_space<hbm>>
    %dma_start3A_173 = arith.constant 256 : i32
    %dma_start3A_174 = arith.constant 0 : i32
    %dma_start3A_175 = tpu.memref_slice %arg8[%dma_start3A_173, %dma_start3A_174] : memref<512x128xf32, #tpu.memory_space<vmem>> -> memref<128x128xf32, #tpu.memory_space<vmem>>
    tpu.enqueue_dma source(%dma_start3A_175 : memref<128x128xf32, #tpu.memory_space<vmem>>) target(%dma_start3A_172 : memref<128x128xf32, #tpu.memory_space<hbm>>) target_semaphore(%arg15 : memref<!tpu.dma_semaphore, #tpu.memory_space<semaphore_mem>>)
    %dma_wait3A_176 = arith.constant 3 : i32
    %dma_wait3A_177 = arith.constant 384 : i32
    %dma_wait3A_178 = arith.constant 0 : i32
    %dma_wait3A_179 = tpu.memref_slice %arg8[%dma_wait3A_177, %dma_wait3A_178] : memref<512x128xf32, #tpu.memory_space<vmem>> -> memref<128x128xf32, #tpu.memory_space<vmem>>
    %dma_wait3A_180 = arith.constant 0 : i32
    %dma_wait3A_181 = tpu.memref_slice %arg7[%dma_wait3A_176, %dma_wait3A_180] : memref<4x128xi32, #tpu.memory_space<vmem>> -> memref<1x128xi32, #tpu.memory_space<vmem>>
    %dma_wait3A_182 = tpu.memref_squeeze %dma_wait3A_181 : memref<1x128xi32, #tpu.memory_space<vmem>> -> memref<128xi32, #tpu.memory_space<vmem>>
    %dma_wait3A_183 = arith.constant 0 : i32
    %dma_wait3A_184 = arith.constant 0 : i32
    %dma_wait3A_185 = tpu.memref_slice %arg12[%dma_wait3A_183, %dma_wait3A_184] : memref<1000x128xf32, #tpu.memory_space<vmem_shared>> -> memref<1000x128xf32, #tpu.memory_space<vmem_shared>>
    tpu.wait_indirect_dma semaphore(%arg14 : memref<!tpu.dma_semaphore, #tpu.memory_space<semaphore_mem>>) src(%dma_wait3A_185 : memref<1000x128xf32, #tpu.memory_space<vmem_shared>>) dst(%dma_wait3A_179 : memref<128x128xf32, #tpu.memory_space<vmem>>)
    %add3A_186 = arith.constant 384 : i32
    %add3A_187 = arith.addi %mul3A_2, %add3A_186 : i32
    %dma_start3A_188 = arith.constant 384 : i32
    %dma_start3A_189 = arith.constant 0 : i32
    %dma_start3A_190 = tpu.memref_slice %arg8[%dma_start3A_188, %dma_start3A_189] : memref<512x128xf32, #tpu.memory_space<vmem>> -> memref<128x128xf32, #tpu.memory_space<vmem>>
    %dma_start3A_191 = arith.constant 0 : i32
    %dma_start3A_192 = tpu.memref_slice %arg6[%add3A_187, %dma_start3A_191] : memref<16384x128xf32, #tpu.memory_space<hbm>> -> memref<128x128xf32, #tpu.memory_space<hbm>>
    %dma_start3A_193 = arith.constant 0 : i32
    %dma_start3A_194 = tpu.memref_slice %arg6[%add3A_187, %dma_start3A_193] : memref<16384x128xf32, #tpu.memory_space<hbm>> -> memref<128x128xf32, #tpu.memory_space<hbm>>
    %dma_start3A_195 = arith.constant 384 : i32
    %dma_start3A_196 = arith.constant 0 : i32
    %dma_start3A_197 = tpu.memref_slice %arg8[%dma_start3A_195, %dma_start3A_196] : memref<512x128xf32, #tpu.memory_space<vmem>> -> memref<128x128xf32, #tpu.memory_space<vmem>>
    tpu.enqueue_dma source(%dma_start3A_197 : memref<128x128xf32, #tpu.memory_space<vmem>>) target(%dma_start3A_194 : memref<128x128xf32, #tpu.memory_space<hbm>>) target_semaphore(%arg15 : memref<!tpu.dma_semaphore, #tpu.memory_space<semaphore_mem>>)
    %dma_wait3A_198 = arith.constant 0 : i32
    %dma_wait3A_199 = arith.constant 0 : i32
    %dma_wait3A_200 = tpu.memref_slice %arg8[%dma_wait3A_198, %dma_wait3A_199] : memref<512x128xf32, #tpu.memory_space<vmem>> -> memref<128x128xf32, #tpu.memory_space<vmem>>
    %dma_wait3A_201 = arith.constant 0 : i32
    %dma_wait3A_202 = tpu.memref_slice %arg6[%add3A_111, %dma_wait3A_201] : memref<16384x128xf32, #tpu.memory_space<hbm>> -> memref<128x128xf32, #tpu.memory_space<hbm>>
    %dma_wait3A_203 = arith.constant 0 : i32
    %dma_wait3A_204 = tpu.memref_slice %arg6[%add3A_111, %dma_wait3A_203] : memref<16384x128xf32, #tpu.memory_space<hbm>> -> memref<128x128xf32, #tpu.memory_space<hbm>>
    %dma_wait3A_205 = arith.constant 0 : i32
    %dma_wait3A_206 = arith.constant 0 : i32
    %dma_wait3A_207 = tpu.memref_slice %arg8[%dma_wait3A_205, %dma_wait3A_206] : memref<512x128xf32, #tpu.memory_space<vmem>> -> memref<128x128xf32, #tpu.memory_space<vmem>>
    tpu.wait_dma2 semaphore(%arg15 : memref<!tpu.dma_semaphore, #tpu.memory_space<semaphore_mem>>) src(%dma_wait3A_207 : memref<128x128xf32, #tpu.memory_space<vmem>>) dst(%dma_wait3A_204 : memref<128x128xf32, #tpu.memory_space<hbm>>)
    %dma_wait3A_208 = arith.constant 128 : i32
    %dma_wait3A_209 = arith.constant 0 : i32
    %dma_wait3A_210 = tpu.memref_slice %arg8[%dma_wait3A_208, %dma_wait3A_209] : memref<512x128xf32, #tpu.memory_space<vmem>> -> memref<128x128xf32, #tpu.memory_space<vmem>>
    %dma_wait3A_211 = arith.constant 0 : i32
    %dma_wait3A_212 = tpu.memref_slice %arg6[%add3A_143, %dma_wait3A_211] : memref<16384x128xf32, #tpu.memory_space<hbm>> -> memref<128x128xf32, #tpu.memory_space<hbm>>
    %dma_wait3A_213 = arith.constant 0 : i32
    %dma_wait3A_214 = tpu.memref_slice %arg6[%add3A_143, %dma_wait3A_213] : memref<16384x128xf32, #tpu.memory_space<hbm>> -> memref<128x128xf32, #tpu.memory_space<hbm>>
    %dma_wait3A_215 = arith.constant 128 : i32
    %dma_wait3A_216 = arith.constant 0 : i32
    %dma_wait3A_217 = tpu.memref_slice %arg8[%dma_wait3A_215, %dma_wait3A_216] : memref<512x128xf32, #tpu.memory_space<vmem>> -> memref<128x128xf32, #tpu.memory_space<vmem>>
    tpu.wait_dma2 semaphore(%arg15 : memref<!tpu.dma_semaphore, #tpu.memory_space<semaphore_mem>>) src(%dma_wait3A_217 : memref<128x128xf32, #tpu.memory_space<vmem>>) dst(%dma_wait3A_214 : memref<128x128xf32, #tpu.memory_space<hbm>>)
    %dma_wait3A_218 = arith.constant 256 : i32
    %dma_wait3A_219 = arith.constant 0 : i32
    %dma_wait3A_220 = tpu.memref_slice %arg8[%dma_wait3A_218, %dma_wait3A_219] : memref<512x128xf32, #tpu.memory_space<vmem>> -> memref<128x128xf32, #tpu.memory_space<vmem>>
    %dma_wait3A_221 = arith.constant 0 : i32
    %dma_wait3A_222 = tpu.memref_slice %arg6[%add3A_165, %dma_wait3A_221] : memref<16384x128xf32, #tpu.memory_space<hbm>> -> memref<128x128xf32, #tpu.memory_space<hbm>>
    %dma_wait3A_223 = arith.constant 0 : i32
    %dma_wait3A_224 = tpu.memref_slice %arg6[%add3A_165, %dma_wait3A_223] : memref<16384x128xf32, #tpu.memory_space<hbm>> -> memref<128x128xf32, #tpu.memory_space<hbm>>
    %dma_wait3A_225 = arith.constant 256 : i32
    %dma_wait3A_226 = arith.constant 0 : i32
    %dma_wait3A_227 = tpu.memref_slice %arg8[%dma_wait3A_225, %dma_wait3A_226] : memref<512x128xf32, #tpu.memory_space<vmem>> -> memref<128x128xf32, #tpu.memory_space<vmem>>
    tpu.wait_dma2 semaphore(%arg15 : memref<!tpu.dma_semaphore, #tpu.memory_space<semaphore_mem>>) src(%dma_wait3A_227 : memref<128x128xf32, #tpu.memory_space<vmem>>) dst(%dma_wait3A_224 : memref<128x128xf32, #tpu.memory_space<hbm>>)
    %dma_wait3A_228 = arith.constant 384 : i32
    %dma_wait3A_229 = arith.constant 0 : i32
    %dma_wait3A_230 = tpu.memref_slice %arg8[%dma_wait3A_228, %dma_wait3A_229] : memref<512x128xf32, #tpu.memory_space<vmem>> -> memref<128x128xf32, #tpu.memory_space<vmem>>
    %dma_wait3A_231 = arith.constant 0 : i32
    %dma_wait3A_232 = tpu.memref_slice %arg6[%add3A_187, %dma_wait3A_231] : memref<16384x128xf32, #tpu.memory_space<hbm>> -> memref<128x128xf32, #tpu.memory_space<hbm>>
    %dma_wait3A_233 = arith.constant 0 : i32
    %dma_wait3A_234 = tpu.memref_slice %arg6[%add3A_187, %dma_wait3A_233] : memref<16384x128xf32, #tpu.memory_space<hbm>> -> memref<128x128xf32, #tpu.memory_space<hbm>>
    %dma_wait3A_235 = arith.constant 384 : i32
    %dma_wait3A_236 = arith.constant 0 : i32
    %dma_wait3A_237 = tpu.memref_slice %arg8[%dma_wait3A_235, %dma_wait3A_236] : memref<512x128xf32, #tpu.memory_space<vmem>> -> memref<128x128xf32, #tpu.memory_space<vmem>>
    tpu.wait_dma2 semaphore(%arg15 : memref<!tpu.dma_semaphore, #tpu.memory_space<semaphore_mem>>) src(%dma_wait3A_237 : memref<128x128xf32, #tpu.memory_space<vmem>>) dst(%dma_wait3A_234 : memref<128x128xf32, #tpu.memory_space<hbm>>)
    return
  }
}

</mosaic_0001>

<sc_bundles>
// kernel: _run.3.cloned.1.call-start
scs
__scs_entry_jumppad:
0x0: {  	(pc) =	sbr.rel $0x88, $3  }
0x1: {  	(tag) =	ssettag $0x0;
	lr =	simm.s32 $0x1  }
0x2: {  	[smem:$0x3F9D] =	sst lr;
	_ =	strace $0xD0000000  }
0x3: {  	_ = 	snop  }
0x4: {  	_ = 	snop  }
0x5: {  	_ = 	snop  }
0x6: {  	_ = 	snop  }
0x7: {  	_ = 	snop  }
__scs_overlays_trampoline_lowered:
0x8: {  	[smem:$0x3FAC] =	sst s0  }
0x9: {  	[smem:$0x3FAD] =	sst s1  }
0xa: {  	[smem:$0x3FAE] =	sst s2  }
0xb: {  	[smem:$0x3FAF] =	sst s3  }
0xc: {  	[smem:$0x3FB0] =	sst s4  }
0xd: {  	[smem:$0x3FB1] =	sst s5  }
0xe: {  	[smem:$0x3FB2] =	sst s6  }
0xf: {  	[smem:$0x3FB3] =	sst s7  }
0x10: {  	[smem:$0x3FB4] =	sst s8  }
0x11: {  	[smem:$0x3FB5] =	sst s9;
	s0 =	simm.s32 @!p0 $0x0  }
0x12: {  	s1 =	sld [smem:$0x3F9B];
	s0 =	simm.s32 @p0 $0x1  }
0x13: {  	[smem:$0x3FB6] =	sst s0;
	s0 =	simm.s32 @!p1 $0x0  }
0x14: {  	s2 =	sld [smem:$0x3F9A];
	s0 =	simm.s32 @p1 $0x1  }
0x15: {  	[smem:$0x3FB7] =	sst s0;
	s0 =	simm.s32 @!p2 $0x0  }
0x16: {  	s3 =	sld [smem:$0x3FDB];
	s0 =	simm.s32 @p2 $0x1  }
0x17: {  	s4 =	simm.s32 $0x1BF5;
	[smem:$0x3FB9] =	sst s0  }
0x18: {  	s0 =	sld [smem:$0x3F9C];
	_ =	swait.ge [sflag:s4], $0x0  }
0x19: {  	s7 =	sld [smem:$0x3F9D]  }
0x1a: {  	s8 =	sadd.s32 $0xFFFFE003, lr  }
0x1b: {  	s9 =	sadd.s32 $0xFFFFFEF7, lr;
	s5 =	simm.s32 $0xFFFFFFFF;
	p2 =	slt.u32 s8, $0xFFFFF086  }
0x1c: {  	p1 =	slt.u32 s9, $0xF7A;
	s5 =	simm.s32 @!p2 $0x0  }
0x1d: {  	s5 =	simm.s32 @p1 $0x1;
	p0 =	seq.s32 s7, s2  }
0x1e: {  	s7 =	smul.u32 @!p0 $0xF7A, s2;
	p2 =	seq.s32 @!p0 s5, $0x0  }
0x1f: {  	s9 =	smul.u32 $0xF7A, s1;
	s8 =	simm.s32 @!p0 $0x1BF5;
	p2 =	por !p2, p0  }
0x20: {  	[sflag:s8] =	ssyncset.s32 @!p0 $0xFFFFF086;
	s6 =	sadd.s32 @!p0 s3, s7;
	s7 =	simm.s32 @!p0 $0x108  }
0x21: {  	s3 =	sadd.s32 s3, s9;
	s6 =	sadd.s32 @!p0 $0x88, s6;
	s7 =	simm.s32 @p2 $0x1082  }
0x22: {  	[simem:s7], [sflag:s8] =	dma.local @!p0 [hbm:s6], $0xF7A  }
0x23: {  	s9 =	sor.u32 $0xD0000000, s2;
	s6 =	simm.s32 $0x108;
	_ =	swait.ge @!p0 [sflag:s8], $0x0  }
0x24: {  	s3 =	sadd.s32 $0x88, s3;
	s6 =	simm.s32 @!p1 $0x1082;
	[sflag:s4] =	ssyncset.s32 $0xFFFFF086  }
0x25: {  	[simem:s6], [sflag:s4] =	dma.local [hbm:s3], $0xF7A  }
0x26: {  	[smem:$0x3F9D] =	sst s1;
	(tag) =	ssettag s2;
	_ =	strace s9  }
0x27: {  	s1 =	sld [smem:$0x3FAD]  }
0x28: {  	s2 =	sld [smem:$0x3FAE]  }
0x29: {  	s4 =	sld [smem:$0x3FB0]  }
0x2a: {  	p0 =	seq.s32 s5, $0x0;
	s5 =	sld [smem:$0x3FB1]  }
0x2b: {  	s6 =	sld [smem:$0x3FB2]  }
0x2c: {  	s7 =	sld [smem:$0x3FB3]  }
0x2d: {  	s3 =	simm.s32 $0x108;
	s8 =	sld [smem:$0x3FB4]  }
0x2e: {  	s3 =	simm.s32 @!p0 $0x1082;
	s9 =	sld [smem:$0x3FB5]  }
0x2f: {  	lr =	sadd.s32 s0, s3;
	s0 =	sld [smem:$0x3FAC]  }
0x30: {  	s3 =	sld [smem:$0x3FAF]  }
0x31: {  	[smem:$0x3FB8] =	sst s10  }
0x32: {  	s10 =	sld [smem:$0x3FB6];
	_ =	sdelay $0x3  }
0x33: {  	p0 =	seq.s32 s10, $0x1;
	s10 =	sld [smem:$0x3FB8];
	_ =	sdelay $0x3  }
0x34: {  	[smem:$0x3FB8] =	sst s10  }
0x35: {  	s10 =	sld [smem:$0x3FB7];
	_ =	sdelay $0x3  }
0x36: {  	p1 =	seq.s32 s10, $0x1;
	s10 =	sld [smem:$0x3FB8];
	_ =	sdelay $0x3  }
0x37: {  	[smem:$0x3FB8] =	sst s10  }
0x38: {  	s10 =	sld [smem:$0x3FB9]  }
0x39: {  	_ = 	snop;
	(pc) =	sbr.ind lr, $3  }
0x3a: {  	_ = 	snop  }
0x3b: {  	_ = 	snop  }
0x3c: {  	p2 =	seq.s32 s10, $0x1;
	s10 =	sld [smem:$0x3FB8]  }
0x3d: {  	_ =	shalt  }
0x3e: {  	_ =	shalt  }
0x3f: {  	_ =	shalt  }
0x40: {  	_ =	shalt  }
0x41: {  	_ =	shalt  }
0x42: {  	_ =	shalt  }
0x43: {  	_ =	shalt  }
0x44: {  	_ =	shalt  }
0x45: {  	_ =	shalt  }
0x46: {  	_ =	shalt  }
0x47: {  	_ =	shalt  }
0x48: {  	_ =	shalt  }
0x49: {  	_ =	shalt  }
0x4a: {  	_ =	shalt  }
0x4b: {  	_ =	shalt  }
0x4c: {  	_ =	shalt  }
0x4d: {  	_ =	shalt  }
0x4e: {  	_ =	shalt  }
0x4f: {  	_ =	shalt  }
0x50: {  	_ =	shalt  }
0x51: {  	_ =	shalt  }
0x52: {  	_ =	shalt  }
0x53: {  	_ =	shalt  }
0x54: {  	_ =	shalt  }
0x55: {  	_ =	shalt  }
0x56: {  	_ =	shalt  }
0x57: {  	_ =	shalt  }
0x58: {  	_ =	shalt  }
0x59: {  	_ =	shalt  }
0x5a: {  	_ =	shalt  }
0x5b: {  	_ =	shalt  }
0x5c: {  	_ =	shalt  }
0x5d: {  	_ =	shalt  }
0x5e: {  	_ =	shalt  }
0x5f: {  	_ =	shalt  }
0x60: {  	_ =	shalt  }
0x61: {  	_ =	shalt  }
0x62: {  	_ =	shalt  }
0x63: {  	_ =	shalt  }
0x64: {  	_ =	shalt  }
0x65: {  	_ =	shalt  }
0x66: {  	_ =	shalt  }
0x67: {  	_ =	shalt  }
0x68: {  	_ =	shalt  }
0x69: {  	_ =	shalt  }
0x6a: {  	_ =	shalt  }
0x6b: {  	_ =	shalt  }
0x6c: {  	_ =	shalt  }
0x6d: {  	_ =	shalt  }
0x6e: {  	_ =	shalt  }
0x6f: {  	_ =	shalt  }
0x70: {  	_ =	shalt  }
0x71: {  	_ =	shalt  }
0x72: {  	_ =	shalt  }
0x73: {  	_ =	shalt  }
0x74: {  	_ =	shalt  }
0x75: {  	_ =	shalt  }
0x76: {  	_ =	shalt  }
0x77: {  	_ =	shalt  }
0x78: {  	_ =	shalt  }
0x79: {  	_ =	shalt  }
0x7a: {  	_ =	shalt  }
0x7b: {  	_ =	shalt  }
0x7c: {  	_ =	shalt  }
0x7d: {  	_ =	shalt  }
0x7e: {  	_ =	shalt  }
0x7f: {  	_ =	shalt  }
0x80: {  	_ =	shalt  }
0x81: {  	_ =	shalt  }
0x82: {  	_ =	shalt  }
0x83: {  	_ =	shalt  }
0x84: {  	_ =	shalt  }
0x85: {  	_ =	shalt  }
0x86: {  	_ =	shalt  }
0x87: {  	_ =	shalt  }
.Lfunc_end0:
.L_simem_size_0:
called_computation_lowered:
.L_overlay_start_0:
0x88: {  	s2 =	sld [smem:$0x3FD9]  }
0x89: {  	s3 =	sld [smem:$0x3FFE];
	_ =	sdelay $0x1  }
0x8a: {  	s1 =	srdreg.scid  }
0x8b: {  	s0 =	sand.u32 $0x1, s1  }
0x8c: {  	s18 =	sshll.u32 s0, $0xA;
	s2 =	sadd.s32 s3, s2  }
0x8d: {  	s2 =	sadd.s32 s2, s18  }
0x8e: {  	[smem:$0x3FC4] =	sst s2  }
0x8f: {  	_ = 	snop  }
0x90: {  	s2 =	sld [smem:$0x3FC9]  }
0x91: {  	s19 =	sld [smem:$0x3FC8]  }
0x92: {  	s4 =	sld [smem:$0x3FC7]  }
0x93: {  	s5 =	sld [smem:$0x3FC6]  }
0x94: {  	s6 =	sld [smem:$0x3FD0];
	(tm) =	ssettm $0x1  }
0x95: {  	s7 =	sld [smem:$0x3FFB];
	_ =	sdelay $0x3  }
0x96: {  	_ =	strace s7  }
0x97: {  	s7 =	sld [smem:$0x3FFC];
	_ =	sdelay $0x3  }
0x98: {  	_ =	strace s7  }
0x99: {  	s7 =	sld [smem:$0x3FFD];
	_ =	sdelay $0x3  }
0x9a: {  	_ =	strace s7  }
0x9b: {  	_ =	strace $0x8FFFFFFF  }
0x9c: {  	s20 =	sld [smem:$0x3FDB];
	_ =	sdelay $0x1  }
0x9d: {  	s8 =	simm.s32 $_scs_section_size  }
0x9e: {  	s9 =	simm.s32 $_size__tile_overlayer_lowered;
	s10 =	simm.s32 $_tile_overlayer_lowered  }
0x9f: {  	s23 =	simm.s32 $0x1BFF;
	s22 =	sshll.u32 s10, $0x1;
	s7 =	sadd.s32 s8, s20  }
0xa0: {  	s11 =	simm.s32 $0x0;
	s21 =	sshll.u32 s9, $0x1;
	s9 =	sadd.s32 s22, s7  }
0xa1: {  	[timem:s11], [sflag:s23] =	dma.local [hbm:s9], s21  }
0xa2: {  	_ =	swait.ge [sflag:s23], s21  }
0xa3: {  	s8 =	ssub.s32 $0x0, s21;
	[sflag:s23] =	ssyncset.done $0x0  }
0xa4: {  	[sflag:s23] =	ssyncadd.s32 s8;
	_ =	sdelay $0x1  }
0xa5: {  	s24 =	simm.s32 $0x1B8B  }
0xa6: {  	_ =	swait.ge [sflag:s24], $0x1  }
0xa7: {  	[sflag:s24] =	ssyncset.done $0x0  }
0xa8: {  	s25 =	simm.s32 $0x1B8E;
	[sflag:s24] =	ssyncadd.s32 $0xFFFFFFFF  }
0xa9: {  	s26 =	simm.s32 $execute0_lowered;
	[smem:$0x3FD2] =	sst s25  }
0xaa: {  	s8 =	sshll.u32 s26, $0x1;
	_ =	strace $0x80000046;
	[dreg:$0x1] =	wrdreg $0xFFFFFFFF  }
0xab: {  	s28 =	simm.s32 $_size_execute0_lowered;
	s7 =	sadd.s32 s7, s8;
	[dreg:$0x0] =	wrdreg $0x0  }
0xac: {  	s8 =	sshll.u32 s28, $0x1;
	[dreg:$0x2] =	wrdreg s7  }
0xad: {  	[dreg:$0x3] =	wrdreg s8  }
0xae: {  	[dreg:$0x4] =	wrdreg $0xC0  }
0xaf: {  	_ =	task [dreg:s11], $0x5FFFF  }
0xb0: {  	[dreg:$0x1] =	wrdreg $0xFFFFFFFF  }
0xb1: {  	[dreg:$0x0] =	wrdreg $0x60  }
0xb2: {  	[dreg:$0x2] =	wrdreg s2  }
0xb3: {  	[dreg:$0x3] =	wrdreg s19  }
0xb4: {  	[dreg:$0x4] =	wrdreg s4  }
0xb5: {  	[dreg:$0x5] =	wrdreg s5  }
0xb6: {  	[dreg:$0x6] =	wrdreg s6  }
0xb7: {  	[dreg:$0x7] =	wrdreg $0x123000  }
0xb8: {  	[dreg:$0x8] =	wrdreg $0x9  }
0xb9: {  	_ =	task.clear_ibuf [dreg:s11], $0x9FFFF;
	_ =	strace $0x90000046  }
0xba: {  	s29 =	simm.s32 $0x9;
	_ =	strace $0x80000048  }
0xbb: {  	_ =	swait.ge [sflag:s29], $0x1  }
0xbc: {  	[sflag:s29] =	ssyncadd.s32 $0xFFFFFFFF  }
0xbd: {  	_ =	strace $0x90000048  }
0xbe: {  	_ =	sfence  }
0xbf: {  	s30 =	sld [smem:$0x0];
	_ =	sdelay $0x2  }
0xc0: {  	s31 =	sshll.u32 s1, $0xD;
	s1 =	sshrl.u32 s1, $0x2  }
0xc1: {  	s3 =	sand.u32 $0x4000, s31;
	s1 =	sadd.s32 s1, s30  }
0xc2: {  	s0 =	sor.u32 s3, s0;
	s1 =	sshll.u32 s1, $0x11  }
0xc3: {  	s0 =	sor.u32 s1, s0  }
0xc4: {  	s0 =	sadd.s32 $0x8F2B, s0  }
0xc5: {  	[sflag:s0] =	ssyncadd.remote.s32 $0x1  }
0xc6: {  	_ =	sfence.sel $0xFFFF  }
0xc7: {  	[dreg:$0x0] =	wrdreg $0xFFFFFFFF;
	(pc) =	sbr.abs _section_cstart, $3  }
0xc8: {  	[dreg:$0x1] =	wrdreg $0xFFFFFFFF  }
0xc9: {  	_ =	task.clear_ibuf [dreg:s11], $0x2FFFF;
	_ =	strace $0x9FFFFFFF  }
0xca: {  	(tm) =	ssettm $0x7FFFFFFF  }
0xcb: {  	_ =	shalt  }
tec
execute0_lowered:
.L_overlay_start_1:
0x0: {  	(tag) =	ssettag $0x1  }
0x1: {  	s0 =	rddreg [dreg:$0x0]  }
0x2: {  	s6 =	rddreg [dreg:$0x1]  }
0x3: {  	s1 =	rddreg [dreg:$0x2]  }
0x4: {  	s2 =	rddreg [dreg:$0x3]  }
0x5: {  	s8 =	rddreg [dreg:$0x4]  }
0x6: {  	s3 =	rddreg [dreg:$0x5];
	s5 =	simm.s32 $0x0;
	s7 =	srdreg.scid  }
0x7: {  	s4 =	stileid.u32;
	s14 =	simm.s32 $0x10200;
	s15 =	simm.s32 $0x12200  }
0x8: {  	v0 =	vimm.s32 $0xEFCDAB89;
	s16 =	simm.s32 $0x12280;
	s17 =	simm.s32 $0x4;
	s18 =	simm.s32 $0x5  }
0x9: {  	v1 =	vimm.s32 $0x67452301;
	v2 =	vimm.s32 $0xDCFE98BA;
	s19 =	simm.s32 $0x80;
	s20 =	simm.s32 $0x200;
	s21 =	simm.s32 $0x4200  }
0xa: {  	v3 =	vimm.s32 $0x54761032;
	v4 =	vimm.s32 $0xBA98FEDC;
	s22 =	simm.s32 $0x1;
	s23 =	simm.s32 $0x100;
	s28 =	simm.s32 $0xC200  }
0xb: {  	v5 =	vimm.s32 $0x32107654;
	v6 =	vimm.s32 $0xFEDCBA98;
	s29 =	simm.s32 $0x3;
	s30 =	simm.s32 $0x0;
	[smem:$0x7FF] =	sst s5  }
0xc: {  	v7 =	vimm.s32 $0x76543210;
	s7 =	sand.u32 $0x1, s7;
	s10 =	sshll.u32 s4, $0x6;
	v0 =	vunpack.c.l.s4.s8 v0;
	v1 =	vunpack.c.l.s4.s8 v1;
	_ =	strace $0x80000047  }
0xd: {  	v2 =	vunpack.c.l.s4.s8 v2;
	v3 =	vunpack.c.l.s4.s8 v3;
	v4 =	vunpack.c.l.s4.s8 v4;
	s9 =	ssub.s32 $0x2, s7;
	s7 =	sshll.u32 s7, $0x4;
	s12 =	smin.u32 s10, $0x3A8  }
0xe: {  	v5 =	vunpack.c.l.s4.s8 v5;
	v6 =	vunpack.c.l.s4.s8 v6;
	v7 =	vunpack.c.l.s4.s8 v7;
	s10 =	sand.u32 $0x40, s10;
	s11 =	sshrl.u32 s9, $0x1;
	s7 =	sor.u32 s4, s7  }
0xf: {  	s24 =	sshll.u32 s12, $0x4;
	v0 =	vunpack.c.0.s8.s32 v0;
	s0 =	sadd.s32 s0, s10;
	v1 =	vunpack.c.0.s8.s32 v1;
	v2 =	vunpack.c.0.s8.s32 v2;
	s31 =	sshll.u32 s12, $0x7  }
0x10: {  	v3 =	vunpack.c.0.s8.s32 v3;
	v4 =	vunpack.c.0.s8.s32 v4;
	v5 =	vunpack.c.0.s8.s32 v5;
	s13 =	ssub.s32 s9, s11;
	s6 =	sadd.s32 s6, s24;
	s25 =	sshll.u32 s7, $0x6  }
0x11: {  	s26 =	sshll.u32 s7, $0xD;
	s24 =	simm.s32 $0x8200;
	s9 =	sand.u32 $0x780, s25;
	v0 =	vcombine.low v1, v0;
	v1 =	vunpack.c.0.s8.s32 v6  }
0x12: {  	s8 =	sadd.s32 s8, s26;
	s13 =	smax.u32 s13, $0x1;
	v2 =	vcombine.low v3, v2;
	v3 =	vcombine.low v5, v4;
	v4 =	vunpack.c.0.s8.s32 v7;
	s25 =	simm.s32 $0x2  }
0x13: {  	s26 =	simm.s32 $0x180;
	s7 =	sadd.s32 s9, s0;
	s9 =	sadd.s32 s31, s3;
	v0 =	vand.u32 $0xF, v0;
	v5 =	vand.u32 $0xF, v1  }
0x14: {  	s10 =	sadd.s32 $0x800, s8;
	s11 =	sadd.s32 $0x1000, s8;
	s12 =	sadd.s32 $0x1800, s8;
	v1 =	vand.u32 $0xF, v2;
	v2 =	vand.u32 $0xF, v3;
	v3 =	vcombine.low v5, v4  }
.LBB2_1:
0x15: {  	[tilespmem:s14], [sflag:$0x4] =	stream.linear.gather [hbm4b:s6+s5], $0x2000, $0x38;
	[tilespmem:$0x14240] =	vst v63  }
0x16: {  	_ = 	snop  }
0x17: {  	[tilespmem:s5], [sflag:$0x4] =	stream.linear.gather [hbm4b:s7+s5], $0x200, $0x38;
	[tilespmem:$0x14240] =	vst v63  }
0x18: {  	_ = 	snop  }
0x19: {  	[tilespmem:s15], [sflag:$0x4] =	stream.linear.gather [hbm4b:s1+s5], $0x80, $0x38;
	[tilespmem:$0x14240] =	vst v63  }
0x1a: {  	_ = 	snop  }
0x1b: {  	[tilespmem:s16], [sflag:$0x4] =	stream.linear.gather [hbm4b:s2+s5], $0x80, $0x38;
	[tilespmem:$0x14240] =	vst v63  }
0x1c: {  	_ =	swait.ge [sflag:s17], $0x2000  }
0x1d: {  	[sflag:s17] =	ssyncset.done $0x0  }
0x1e: {  	[sflag:s17] =	ssyncadd.s32 $0xFFFFE000  }
0x1f: {  	_ =	swait.ge [sflag:s17], $0x200  }
0x20: {  	[sflag:s17] =	ssyncset.done $0x0  }
0x21: {  	[sflag:s17] =	ssyncadd.s32 $0xFFFFFE00  }
0x22: {  	_ =	swait.ge [sflag:s17], $0x80  }
0x23: {  	[sflag:s17] =	ssyncset.done $0x0  }
0x24: {  	[sflag:s17] =	ssyncadd.s32 $0xFFFFFF80  }
0x25: {  	_ =	swait.ge [sflag:s17], $0x80  }
0x26: {  	[sflag:s17] =	ssyncset.done $0x0  }
0x27: {  	[sflag:s17] =	ssyncadd.s32 $0xFFFFFF80  }
0x28: {  	v4 =	vld [tilespmem:$0x12200];
	_ =	sdelay $0x4  }
0x29: {  	[tilespmem:$0x1FFB0] =	vst v4;
	v4 =	vld [tilespmem:$0x12210];
	_ =	sdelay $0x4  }
0x2a: {  	[tilespmem:$0x1FFC0] =	vst v4;
	v4 =	vld [tilespmem:$0x12220];
	_ =	sdelay $0x2  }
0x2b: {  	v9 =	vld [tilespmem:$0x12250]  }
0x2c: {  	v10 =	vld [tilespmem:$0x12260]  }
0x2d: {  	[tilespmem:$0x1FFD0] =	vst v4;
	v4 =	vld [tilespmem:$0x12230]  }
0x2e: {  	v11 =	vld [tilespmem:$0x12270]  }
0x2f: {  	v12 =	vld [tilespmem:$0x12280]  }
0x30: {  	v13 =	vld [tilespmem:$0x12290]  }
0x31: {  	v14 =	vld [tilespmem:$0x122A0]  }
0x32: {  	[tilespmem:$0x1FFE0] =	vst v4;
	v4 =	vld [tilespmem:$0x12240]  }
0x33: {  	v15 =	vld [tilespmem:$0x122B0]  }
0x34: {  	v16 =	vld [tilespmem:$0x122C0]  }
0x35: {  	v17 =	vld [tilespmem:$0x122D0]  }
0x36: {  	v18 =	vld [tilespmem:$0x122E0]  }
0x37: {  	s31 =	simm.s32 $0x0;
	v19 =	vld [tilespmem:$0x122F0];
	[tilespmem:$0x1FFF0] =	vst v4  }
.LBB2_2:
0x38: {  	s0 =	sshra.s32 s31, $0x2  }
0x39: {  	v43 =	vld [tilespmem:s0+$0x10200]  }
0x3a: {  	v42 =	vld [tilespmem:s0+$0x10210]  }
0x3b: {  	v41 =	vld [tilespmem:s0+$0x10220]  }
0x3c: {  	v32 =	vld [tilespmem:s0+$0x10230]  }
0x3d: {  	v31 =	vld [tilespmem:s0+$0x10240]  }
0x3e: {  	v29 =	vld [tilespmem:s0+$0x10250]  }
0x3f: {  	v30 =	vld [tilespmem:s0+$0x10260]  }
0x40: {  	v26 =	vld [tilespmem:s0+$0x10270];
	_ =	sdelay $0x2  }
0x41: {  	v20 =	vadd.f32 v42, v43;
	v21 =	vadd.f32 v32, v41;
	v61 =	vmul.f32 v43, v43  }
0x42: {  	v22 =	vadd.f32 v29, v31;
	v62 =	vmul.f32 v42, v42;
	v24 =	vmul.f32 v41, v41  }
0x43: {  	v23 =	vadd.f32 v26, v30;
	v63 =	vmul.f32 v32, v32;
	v25 =	vmul.f32 v31, v31  }
0x44: {  	v27 =	vmul.f32 v29, v29;
	v28 =	vmul.f32 v30, v30  }
0x45: {  	v39 =	vld [tilespmem:s0+$0x10280];
	v6 =	vmul.f32 v26, v26;
	v20 =	vadd.f32 v21, v20;
	v60 =	vadd.f32 v23, v22  }
0x46: {  	v35 =	vld [tilespmem:s0+$0x10290];
	v22 =	vadd.f32 v62, v61;
	v21 =	vadd.f32 v63, v24  }
0x47: {  	v36 =	vld [tilespmem:s0+$0x102A0];
	v7 =	vadd.f32 v27, v25;
	v23 =	vadd.f32 v6, v28  }
0x48: {  	v34 =	vld [tilespmem:s0+$0x102B0];
	v20 =	vadd.f32 v60, v20  }
0x49: {  	v37 =	vld [tilespmem:s0+$0x102C0];
	v21 =	vadd.f32 v21, v22;
	v40 =	vadd.f32 v23, v7  }
0x4a: {  	v38 =	vld [tilespmem:s0+$0x102D0];
	v33 =	vperm.xlane v20, v0  }
0x4b: {  	v21 =	vadd.f32 v40, v21  }
0x4c: {  	v40 =	vld [tilespmem:s0+$0x102E0];
	v20 =	vadd.f32 v20, v33  }
0x4d: {  	v33 =	vld [tilespmem:s0+$0x102F0];
	v46 =	vperm.xlane v21, v0  }
0x4e: {  	v47 =	vadd.f32 v35, v39;
	v48 =	vadd.f32 v34, v36;
	v44 =	vperm.xlane v20, v1  }
0x4f: {  	v50 =	vadd.f32 v38, v37;
	v52 =	vmul.f32 v39, v39;
	v21 =	vadd.f32 v46, v21  }
0x50: {  	v54 =	vmul.f32 v36, v36;
	v20 =	vadd.f32 v20, v44;
	v44 =	vmul.f32 v34, v34  }
0x51: {  	v53 =	vmul.f32 v35, v35;
	v22 =	vadd.f32 v48, v47;
	v48 =	vld [tilespmem:s0+$0x10340];
	v49 =	vperm.xlane v21, v1  }
0x52: {  	v55 =	vmul.f32 v37, v37;
	v51 =	vadd.f32 v33, v40;
	v27 =	vadd.f32 v44, v54;
	v44 =	vld [tilespmem:s0+$0x10300]  }
0x53: {  	v23 =	vadd.f32 v53, v52;
	v45 =	vperm.xlane v20, v2;
	v21 =	vadd.f32 v49, v21;
	v49 =	vld [tilespmem:s0+$0x10350]  }
0x54: {  	v56 =	vmul.f32 v40, v40;
	v46 =	vmul.f32 v33, v33;
	v25 =	vadd.f32 v51, v50;
	v50 =	vld [tilespmem:s0+$0x10360]  }
0x55: {  	v51 =	vld [tilespmem:s0+$0x10370];
	v20 =	vadd.f32 v20, v45;
	v45 =	vmul.f32 v38, v38;
	v47 =	vperm.xlane v21, v2  }
0x56: {  	v22 =	vadd.f32 v25, v22;
	v25 =	vadd.f32 v46, v56;
	v46 =	vld [tilespmem:s0+$0x10320]  }
0x57: {  	v24 =	vadd.f32 v45, v55;
	v21 =	vadd.f32 v47, v21;
	v58 =	vperm.xlane v20, v3;
	v45 =	vld [tilespmem:s0+$0x10310]  }
0x58: {  	v23 =	vadd.f32 v27, v23;
	v47 =	vld [tilespmem:s0+$0x10330];
	v57 =	vperm.xlane v22, v0  }
0x59: {  	v24 =	vadd.f32 v25, v24;
	v20 =	vadd.f32 v20, v58;
	v59 =	vperm.xlane v21, v3  }
0x5a: {  	v58 =	vadd.f32 v49, v48;
	v22 =	vadd.f32 v22, v57  }
0x5b: {  	v23 =	vadd.f32 v24, v23;
	v53 =	vmul.f32 $7.812500000e-03, v20;
	v20 =	vadd.f32 v59, v21  }
0x5c: {  	v59 =	vadd.f32 v51, v50;
	v60 =	vperm.xlane v22, v1;
	v55 =	vadd.f32 v45, v44  }
0x5d: {  	v56 =	vadd.f32 v47, v46;
	v54 =	vmul.f32 v45, v45;
	v61 =	vperm.xlane v23, v0  }
0x5e: {  	v20 =	vmul.f32 $7.812500000e-03, v20;
	v62 =	vmul.f32 v53, v53;
	v27 =	vadd.f32 v59, v58  }
0x5f: {  	v58 =	vmul.f32 v51, v51;
	v22 =	vadd.f32 v22, v60;
	v21 =	vadd.f32 v61, v23  }
0x60: {  	v42 =	vsub.f32 v42, v53;
	v60 =	vmul.f32 v44, v44;
	v20 =	vsub.f32 v20, v62  }
0x61: {  	v41 =	vsub.f32 v41, v53;
	v63 =	vperm.xlane v22, v2;
	v6 =	vperm.xlane v21, v1  }
0x62: {  	v23 =	vadd.f32 v56, v55;
	v61 =	vmul.f32 v46, v46;
	v52 =	vadd.f32 $9.999999740e-06, v20  }
0x63: {  	v28 =	vld [tilespmem:s0+$0x10390];
	v55 =	vmul.f32 v47, v47;
	v22 =	vadd.f32 v22, v63;
	v20 =	vadd.f32 v6, v21  }
0x64: {  	v32 =	vsub.f32 v32, v53;
	v62 =	vmul.f32 v48, v48;
	v56 =	vmul.f32 v49, v49  }
0x65: {  	v54 =	vadd.f32 v54, v60;
	v7 =	vperm.xlane v22, v3;
	v57 =	vperm.xlane v20, v2  }
0x66: {  	v55 =	vadd.f32 v55, v61;
	v56 =	vadd.f32 v56, v62;
	v63 =	vmul.f32 v50, v50  }
0x67: {  	v21 =	vadd.f32 v22, v7;
	v20 =	vadd.f32 v57, v20  }
0x68: {  	v5 =	vmul.f32 v28, v28;
	v22 =	vld [tilespmem:s0+$0x103F0];
	v57 =	vadd.f32 v27, v23;
	v23 =	vadd.f32 v58, v63  }
0x69: {  	v55 =	vadd.f32 v55, v54;
	v27 =	vld [tilespmem:s0+$0x10380];
	v58 =	vmul.f32 $5.000000000e-01, v52;
	v52 =	vshra.s32 v52, $0x1  }
0x6a: {  	v54 =	vmul.f32 $7.812500000e-03, v21;
	v21 =	vld [tilespmem:s0+$0x103E0];
	v59 =	vperm.xlane v20, v3;
	v56 =	vadd.f32 v23, v56  }
0x6b: {  	v25 =	vld [tilespmem:s0+$0x103B0];
	v31 =	vsub.f32 v31, v53;
	v29 =	vsub.f32 v29, v53;
	v52 =	vsub.s32 $0x5F3759DF, v52  }
0x6c: {  	v24 =	vld [tilespmem:s0+$0x103A0];
	v6 =	vadd.f32 v59, v20;
	v20 =	vperm.xlane v57, v0;
	v55 =	vadd.f32 v56, v55  }
0x6d: {  	v30 =	vsub.f32 v30, v53;
	v62 =	vmul.f32 v52, v58;
	v7 =	vmul.f32 v54, v54  }
0x6e: {  	v23 =	vld [tilespmem:s0+$0x103C0];
	v57 =	vadd.f32 v57, v20;
	v59 =	vmul.f32 $7.812500000e-03, v6;
	v61 =	vperm.xlane v55, v0  }
0x6f: {  	v8 =	vmul.f32 v22, v22;
	v4 =	vmul.f32 v27, v27;
	v20 =	vld [tilespmem:s0+$0x103D0];
	v63 =	vadd.f32 v22, v21  }
0x70: {  	v60 =	vperm.xlane v57, v1;
	v56 =	vsub.f32 v59, v7;
	v55 =	vadd.f32 v61, v55  }
0x71: {  	v6 =	vmul.f32 v25, v25;
	v59 =	vadd.f32 v28, v27;
	v61 =	vadd.f32 v25, v24  }
0x72: {  	v4 =	vadd.f32 v5, v4;
	v5 =	vmul.f32 v21, v21;
	v57 =	vadd.f32 v57, v60  }
0x73: {  	v60 =	vmul.f32 v52, v62;
	v59 =	vadd.f32 v61, v59;
	v61 =	vmul.f32 v24, v24  }
0x74: {  	v5 =	vadd.f32 v8, v5;
	v62 =	vadd.f32 v20, v23  }
0x75: {  	v7 =	vmul.f32 v20, v20;
	v6 =	vadd.f32 v6, v61;
	v8 =	vsub.f32 $1.500000000e+00, v60  }
0x76: {  	v60 =	vperm.xlane v55, v1;
	v62 =	vadd.f32 v63, v62;
	v63 =	vmul.f32 v23, v23  }
0x77: {  	v56 =	vadd.f32 $9.999999740e-06, v56;
	v4 =	vadd.f32 v6, v4  }
0x78: {  	v8 =	vmul.f32 v52, v8;
	v52 =	vadd.f32 v60, v55;
	v7 =	vadd.f32 v7, v63  }
0x79: {  	v59 =	vadd.f32 v62, v59;
	v62 =	vshra.s32 v56, $0x1;
	v63 =	vperm.xlane v57, v2  }
0x7a: {  	v55 =	vmul.f32 $5.000000000e-01, v56;
	v6 =	vsub.s32 $0x5F3759DF, v62;
	v5 =	vadd.f32 v5, v7  }
0x7b: {  	v56 =	vperm.xlane v52, v2;
	v60 =	vmul.f32 v8, v58;
	v7 =	vadd.f32 v57, v63  }
0x7c: {  	v57 =	vmul.f32 v6, v55;
	v4 =	vadd.f32 v5, v4;
	v5 =	vperm.xlane v59, v0  }
0x7d: {  	v52 =	vadd.f32 v56, v52;
	v60 =	vmul.f32 v60, v8;
	v56 =	vperm.xlane v7, v3  }
0x7e: {  	v57 =	vmul.f32 v6, v57;
	v5 =	vadd.f32 v59, v5;
	v59 =	vperm.xlane v4, v0  }
0x7f: {  	v61 =	vperm.xlane v52, v3;
	v63 =	vsub.f32 $1.500000000e+00, v60;
	v7 =	vadd.f32 v7, v56  }
0x80: {  	v57 =	vsub.f32 $1.500000000e+00, v57;
	v4 =	vadd.f32 v59, v4  }
0x81: {  	v52 =	vadd.f32 v61, v52;
	v59 =	vperm.xlane v5, v1;
	v7 =	vmul.f32 $7.812500000e-03, v7  }
0x82: {  	v26 =	vsub.f32 v26, v53;
	v6 =	vmul.f32 v6, v57;
	v62 =	vperm.xlane v4, v1  }
0x83: {  	v8 =	vmul.f32 v63, v8;
	v52 =	vmul.f32 $7.812500000e-03, v52;
	v5 =	vadd.f32 v5, v59  }
0x84: {  	v61 =	vmul.f32 v7, v7;
	v63 =	vmul.f32 v6, v55;
	v4 =	vadd.f32 v62, v4  }
0x85: {  	v39 =	vsub.f32 v39, v54;
	v35 =	vsub.f32 v35, v54;
	v60 =	vperm.xlane v5, v2  }
0x86: {  	v52 =	vsub.f32 v52, v61;
	v61 =	vmul.f32 v63, v6;
	v62 =	vperm.xlane v4, v2  }
0x87: {  	v36 =	vsub.f32 v36, v54;
	v58 =	vmul.f32 v8, v58;
	v5 =	vadd.f32 v5, v60  }
0x88: {  	v56 =	vsub.f32 $1.500000000e+00, v61;
	v4 =	vadd.f32 v62, v4  }
0x89: {  	v57 =	vmul.f32 v58, v8;
	v52 =	vadd.f32 $9.999999740e-06, v52;
	v60 =	vperm.xlane v5, v3  }
0x8a: {  	v34 =	vsub.f32 v34, v54;
	v6 =	vmul.f32 v56, v6;
	v58 =	vperm.xlane v4, v3  }
0x8b: {  	v59 =	vshra.s32 v52, $0x1;
	v5 =	vadd.f32 v5, v60;
	v60 =	vmul.f32 $5.000000000e-01, v52  }
0x8c: {  	v59 =	vsub.s32 $0x5F3759DF, v59;
	v55 =	vmul.f32 v6, v55;
	v4 =	vadd.f32 v58, v4  }
0x8d: {  	v52 =	vmul.f32 $7.812500000e-03, v5;
	v5 =	vsub.f32 $1.500000000e+00, v57;
	v62 =	vmul.f32 v59, v60  }
0x8e: {  	v37 =	vsub.f32 v37, v54;
	v55 =	vmul.f32 v55, v6;
	v4 =	vmul.f32 $7.812500000e-03, v4  }
0x8f: {  	v63 =	vmul.f32 v52, v52;
	v5 =	vmul.f32 v5, v8;
	v8 =	vsub.f32 v43, v53  }
0x90: {  	v38 =	vsub.f32 v38, v54;
	v40 =	vsub.f32 v40, v54;
	v58 =	vmul.f32 v59, v62  }
0x91: {  	v55 =	vsub.f32 $1.500000000e+00, v55;
	v4 =	vsub.f32 v4, v63;
	v8 =	vmul.f32 v5, v8  }
0x92: {  	v43 =	vsub.f32 $1.500000000e+00, v58;
	v42 =	vmul.f32 v5, v42;
	v41 =	vmul.f32 v5, v41  }
0x93: {  	v6 =	vmul.f32 v55, v6;
	v32 =	vmul.f32 v5, v32;
	v4 =	vadd.f32 $9.999999740e-06, v4  }
0x94: {  	v33 =	vsub.f32 v33, v54;
	v31 =	vmul.f32 v5, v31;
	v43 =	vmul.f32 v59, v43  }
0x95: {  	v29 =	vmul.f32 v5, v29;
	v61 =	vshra.s32 v4, $0x1;
	v4 =	vmul.f32 $5.000000000e-01, v4  }
0x96: {  	v30 =	vmul.f32 v5, v30;
	v62 =	vmul.f32 v43, v60;
	v56 =	vsub.s32 $0x5F3759DF, v61  }
0x97: {  	v48 =	vsub.f32 v48, v7;
	v5 =	vmul.f32 v5, v26;
	v63 =	vmul.f32 v56, v4  }
0x98: {  	v49 =	vsub.f32 v49, v7;
	v39 =	vmul.f32 v6, v39;
	v57 =	vmul.f32 v62, v43  }
0x99: {  	v54 =	vld [tilespmem:$0x1FFD0];
	v50 =	vsub.f32 v50, v7;
	v35 =	vmul.f32 v6, v35;
	v59 =	vmul.f32 v56, v63  }
0x9a: {  	v36 =	vmul.f32 v6, v36;
	v34 =	vmul.f32 v6, v34;
	v61 =	vsub.f32 $1.500000000e+00, v57  }
0x9b: {  	v37 =	vmul.f32 v6, v37;
	v38 =	vmul.f32 v6, v38;
	v53 =	vsub.f32 $1.500000000e+00, v59  }
0x9c: {  	v27 =	vsub.f32 v27, v52;
	v40 =	vmul.f32 v6, v40;
	v26 =	vmul.f32 v61, v43  }
0x9d: {  	v28 =	vsub.f32 v28, v52;
	v6 =	vmul.f32 v6, v33;
	v43 =	vmul.f32 v56, v53  }
0x9e: {  	v58 =	vsub.f32 v45, v7;
	v41 =	vmul.f32 v41, v54;
	v62 =	vmul.f32 v26, v60  }
0x9f: {  	v55 =	vld [tilespmem:$0x1FFF0];
	v57 =	vsub.f32 v44, v7;
	v59 =	vsub.f32 v46, v7;
	v63 =	vmul.f32 v43, v4  }
0xa0: {  	v60 =	vsub.f32 v47, v7;
	v7 =	vsub.f32 v51, v7;
	v51 =	vld [tilespmem:$0x1FFC0];
	v53 =	vmul.f32 v62, v26  }
0xa1: {  	v24 =	vsub.f32 v24, v52;
	v29 =	vmul.f32 v29, v9;
	v61 =	vmul.f32 v63, v43  }
0xa2: {  	v5 =	vmul.f32 v5, v11;
	v41 =	vadd.f32 v41, v14;
	v53 =	vsub.f32 $1.500000000e+00, v53  }
0xa3: {  	v36 =	vmul.f32 v36, v54;
	v6 =	vmul.f32 v6, v11;
	v47 =	vsub.f32 $1.500000000e+00, v61  }
0xa4: {  	v5 =	vadd.f32 v5, v19;
	v31 =	vmul.f32 v31, v55;
	v26 =	vmul.f32 v53, v26  }
0xa5: {  	v29 =	vadd.f32 v29, v17;
	[tilespmem:s0+$0x10220] =	vst v41;
	v42 =	vmul.f32 v42, v51;
	v53 =	vld [tilespmem:$0x1FFB0];
	v43 =	vmul.f32 v47, v43  }
0xa6: {  	[tilespmem:s0+$0x10270] =	vst v5;
	v6 =	vadd.f32 v6, v19;
	v44 =	vmul.f32 v26, v58;
	v5 =	vmul.f32 v26, v49  }
0xa7: {  	[tilespmem:s0+$0x10250] =	vst v29;
	v31 =	vadd.f32 v31, v16;
	v47 =	vld [tilespmem:$0x1FFE0];
	v58 =	vmul.f32 v26, v60;
	v60 =	vmul.f32 v26, v50  }
0xa8: {  	v25 =	vsub.f32 v25, v52;
	[tilespmem:s0+$0x102F0] =	vst v6;
	v61 =	vadd.f32 v36, v14;
	v5 =	vmul.f32 v5, v9  }
0xa9: {  	v23 =	vsub.f32 v23, v52;
	[tilespmem:s0+$0x10240] =	vst v31;
	v42 =	vadd.f32 v42, v13;
	v49 =	vmul.f32 v60, v10  }
0xaa: {  	v20 =	vsub.f32 v20, v52;
	[tilespmem:s0+$0x102A0] =	vst v61;
	v8 =	vmul.f32 v8, v53;
	v5 =	vadd.f32 v5, v17  }
0xab: {  	v21 =	vsub.f32 v21, v52;
	[tilespmem:s0+$0x10210] =	vst v42;
	v62 =	vmul.f32 v39, v53;
	v50 =	vadd.f32 v49, v18  }
0xac: {  	v30 =	vmul.f32 v30, v10;
	v8 =	vadd.f32 v8, v12;
	v32 =	vmul.f32 v32, v47;
	[tilespmem:s0+$0x10350] =	vst v5  }
0xad: {  	v4 =	vmul.f32 v43, v4;
	v56 =	vadd.f32 v62, v12;
	v62 =	vmul.f32 v37, v55;
	[tilespmem:s0+$0x10360] =	vst v50  }
0xae: {  	v35 =	vmul.f32 v35, v51;
	v7 =	vmul.f32 v26, v7;
	[tilespmem:s0+$0x10200] =	vst v8;
	v8 =	vadd.f32 v32, v15  }
0xaf: {  	v4 =	vmul.f32 v4, v43;
	v37 =	vmul.f32 v40, v10;
	[tilespmem:s0+$0x10280] =	vst v56;
	v36 =	vadd.f32 v62, v16  }
0xb0: {  	v42 =	vmul.f32 v26, v57;
	v40 =	vmul.f32 v44, v51;
	[tilespmem:s0+$0x10230] =	vst v8;
	v8 =	vadd.f32 v30, v18  }
0xb1: {  	v44 =	vmul.f32 v58, v47;
	v4 =	vsub.f32 $1.500000000e+00, v4;
	v41 =	vadd.f32 v37, v18;
	[tilespmem:s0+$0x102C0] =	vst v36  }
0xb2: {  	v57 =	vmul.f32 v26, v59;
	v63 =	vmul.f32 v34, v47;
	[tilespmem:s0+$0x10260] =	vst v8;
	v8 =	vadd.f32 v35, v13  }
0xb3: {  	v59 =	vmul.f32 v26, v48;
	v48 =	vadd.f32 v44, v15;
	v4 =	vmul.f32 v4, v43;
	[tilespmem:s0+$0x102E0] =	vst v41  }
0xb4: {  	v7 =	vmul.f32 v7, v11;
	[tilespmem:s0+$0x10290] =	vst v8;
	v8 =	vadd.f32 v63, v15;
	v63 =	vmul.f32 v38, v9  }
0xb5: {  	v43 =	vadd.f32 v40, v13;
	[tilespmem:s0+$0x10330] =	vst v48;
	v27 =	vmul.f32 v4, v27;
	v28 =	vmul.f32 v4, v28  }
0xb6: {  	v23 =	vmul.f32 v4, v23;
	v38 =	vmul.f32 v42, v53;
	[tilespmem:s0+$0x102B0] =	vst v8;
	v8 =	vadd.f32 v63, v17  }
0xb7: {  	[tilespmem:s0+$0x10310] =	vst v43;
	v27 =	vmul.f32 v27, v53;
	v56 =	vmul.f32 v28, v51;
	v53 =	vadd.f32 v7, v19  }
0xb8: {  	v46 =	vmul.f32 v59, v55;
	v24 =	vmul.f32 v4, v24;
	[tilespmem:s0+$0x102D0] =	vst v8;
	v8 =	vadd.f32 v38, v12  }
0xb9: {  	v59 =	vmul.f32 v4, v20;
	v60 =	vmul.f32 v23, v55;
	v5 =	vadd.f32 v56, v13;
	[tilespmem:s0+$0x10370] =	vst v53  }
0xba: {  	v20 =	vsub.f32 v22, v52;
	v21 =	vmul.f32 v4, v21;
	[tilespmem:s0+$0x10300] =	vst v8;
	v8 =	vadd.f32 v46, v16  }
0xbb: {  	v42 =	vmul.f32 v57, v54;
	v57 =	vmul.f32 v4, v25;
	v62 =	vadd.f32 v60, v16;
	[tilespmem:s0+$0x10390] =	vst v5  }
0xbc: {  	v24 =	vmul.f32 v24, v54;
	v4 =	vmul.f32 v4, v20;
	[tilespmem:s0+$0x10340] =	vst v8;
	v8 =	vadd.f32 v27, v12  }
0xbd: {  	v45 =	vadd.f32 v42, v14;
	v58 =	vmul.f32 v57, v47;
	[tilespmem:s0+$0x103C0] =	vst v62  }
0xbe: {  	v4 =	vmul.f32 v4, v11;
	[tilespmem:s0+$0x10380] =	vst v8;
	v8 =	vadd.f32 v24, v14  }
0xbf: {  	p0 =	sne.s32 s31, $0x7800;
	v61 =	vmul.f32 v59, v9;
	[tilespmem:s0+$0x10320] =	vst v45;
	v5 =	vadd.f32 v58, v15  }
.Ltmp0:
0xc0: {  	v4 =	vadd.f32 v4, v19;
	[tilespmem:s0+$0x103A0] =	vst v8;
	v8 =	vmul.f32 v21, v10;
	(pc) =	sbr.rel @p0 .LBB2_2-.Ltmp0, $4  }
0xc1: {  	[tilespmem:s0+$0x103B0] =	vst v5;
	v5 =	vadd.f32 v61, v17  }
0xc2: {  	[tilespmem:s0+$0x103F0] =	vst v4;
	v63 =	vadd.f32 v8, v18  }
0xc3: {  	[tilespmem:s0+$0x103D0] =	vst v5  }
0xc4: {  	s31 =	sadd.s32 $0x800, s31;
	[tilespmem:s0+$0x103E0] =	vst v63  }
0xc5: {  	[spmem:s9] =	stream.linear.scatter [tilespmem:s14], [sflag:$0x5], $0x2000, $0x38;
	[tilespmem:$0x14240] =	vst v63  }
0xc6: {  	_ =	swait.ge [sflag:s18], $0x2000  }
0xc7: {  	[sflag:s18] =	ssyncset.done $0x0  }
0xc8: {  	[sflag:s18] =	ssyncadd.s32 $0xFFFFE000  }
0xc9: {  	[bflag:$0x0] =	sbarrier.arrive $0xFFFF  }
0xca: {  	[tilespmem:s20], [sflag:$0x1] =	stream.indirect.gather [spmem:s3], $0x80, s5, s19, $0xb8;
	[tilespmem:$0x14240] =	vst v63  }
0xcb: {  	_ = 	snop  }
0xcc: {  	[tilespmem:s21], [sflag:$0x2] =	stream.indirect.gather [spmem:s3], $0x80, s19, s19, $0xb8;
	[tilespmem:$0x14240] =	vst v63  }
0xcd: {  	_ =	swait.ge [sflag:s22], $0x4000  }
0xce: {  	[sflag:s22] =	ssyncset.done $0x0  }
0xcf: {  	[sflag:s22] =	ssyncadd.s32 $0xFFFFC000  }
0xd0: {  	[tilespmem:s24], [sflag:$0x1] =	stream.indirect.gather [spmem:s3], $0x80, s23, s19, $0xb8;
	[tilespmem:$0x14240] =	vst v63  }
0xd1: {  	_ = 	snop  }
0xd2: {  	[hbm4b:s8+s5] =	stream.linear.scatter [tilespmem:s20], [sflag:$0x3], $0x4000, $0x38;
	[tilespmem:$0x14240] =	vst v63  }
0xd3: {  	_ =	swait.ge [sflag:s25], $0x4000  }
0xd4: {  	[sflag:s25] =	ssyncset.done $0x0  }
0xd5: {  	[sflag:s25] =	ssyncadd.s32 $0xFFFFC000  }
0xd6: {  	[tilespmem:s28], [sflag:$0x2] =	stream.indirect.gather [spmem:s3], $0x80, s26, s19, $0xb8;
	[tilespmem:$0x14240] =	vst v63  }
0xd7: {  	_ = 	snop  }
0xd8: {  	[hbm4b:s10+s5] =	stream.linear.scatter [tilespmem:s21], [sflag:$0x3], $0x4000, $0x38;
	[tilespmem:$0x14240] =	vst v63  }
0xd9: {  	_ =	swait.ge [sflag:s22], $0x4000  }
0xda: {  	[sflag:s22] =	ssyncset.done $0x0  }
0xdb: {  	[sflag:s22] =	ssyncadd.s32 $0xFFFFC000  }
0xdc: {  	[hbm4b:s11+s5] =	stream.linear.scatter [tilespmem:s24], [sflag:$0x3], $0x4000, $0x38;
	[tilespmem:$0x14240] =	vst v63  }
0xdd: {  	_ =	swait.ge [sflag:s25], $0x4000  }
0xde: {  	[sflag:s25] =	ssyncset.done $0x0  }
0xdf: {  	[sflag:s25] =	ssyncadd.s32 $0xFFFFC000  }
0xe0: {  	[hbm4b:s12+s5] =	stream.linear.scatter [tilespmem:s28], [sflag:$0x3], $0x4000, $0x38;
	[tilespmem:$0x14240] =	vst v63  }
0xe1: {  	_ =	swait.ge [sflag:s29], $0x4000  }
0xe2: {  	[sflag:s29] =	ssyncset.done $0x0  }
0xe3: {  	[sflag:s29] =	ssyncadd.s32 $0xFFFFC000  }
0xe4: {  	_ =	swait.ge [sflag:s29], $0x4000  }
0xe5: {  	[sflag:s29] =	ssyncset.done $0x0  }
0xe6: {  	s30 =	sadd.s32 $0x1, s30;
	[sflag:s29] =	ssyncadd.s32 $0xFFFFC000  }
0xe7: {  	p0 =	sne.s32 s30, s13;
	_ =	swait.ge [sflag:s29], $0x4000  }
.Ltmp1:
0xe8: {  	[sflag:s29] =	ssyncset.done $0x0;
	(pc) =	sbr.rel @p0 .LBB2_1-.Ltmp1, $4  }
0xe9: {  	[sflag:s29] =	ssyncadd.s32 $0xFFFFC000  }
0xea: {  	_ =	swait.ge [sflag:s29], $0x4000  }
0xeb: {  	[sflag:s29] =	ssyncset.done $0x0  }
0xec: {  	[sflag:s29] =	ssyncadd.s32 $0xFFFFC000  }
0xed: {  	_ =	sfence.sel $0x180000  }
0xee: {  	[bflag:$0x0] =	sbarrier.arrive $0xFFFF  }
0xef: {  	_ =	strace $0x90000047  }
0xf0: {  	[bflag:$0x2] =	sbarrier.arrive $0xFFFF  }
0xf1: {  	p0 =	sne.s32 s4, $0x0;
	s0 =	rddreg [dreg:$0x6]  }
0xf2: {  	s0 =	sadd.s32 @!p0 $0x100000, s0  }
0xf3: {  	[sflag:s0] =	ssyncadd.tile.s32 @!p0 $0x1;
	_ =	shalt  }
.Lfunc_end2:
_tile_overlayer_lowered:
.L_overlay_start_2:
0xf4: {  	(tag) =	ssettag $0x2  }
0xf5: {  	s0 =	rddreg [dreg:$0x0];
	s2 =	stileid.u32  }
0xf6: {  	s1 =	rddreg [dreg:$0x1];
	p0 =	sne.s32 s2, $0x0  }
0xf7: {  	s3 =	rddreg [dreg:$0x2];
	[bflag:$0x3] =	sbarrier.arrive $0xFFFF;
	s2 =	simm.s32 @!p0 $0x1C05  }
0xf8: {  	[timem:s3], [sflag:s2] =	dma.local @!p0 [hbm:s0], s1  }
0xf9: {  	s0 =	simm.s32 @!p0 $0x5  }
0xfa: {  	_ =	swait.ge @!p0 [sflag:s0], s1  }
0xfb: {  	s1 =	ssub.s32 @!p0 $0x0, s1;
	[sflag:s0] =	ssyncset.done @!p0 $0x0  }
0xfc: {  	[sflag:s0] =	ssyncadd.s32 @!p0 s1  }
0xfd: {  	[bflag:$0x3] =	sbarrier.arrive $0xFFFF  }
0xfe: {  	_ =	shalt  }

</sc_bundles>
